<compile_context>
chip_gen: v7x
topology: tpu7x:2x2x1
jax: 0.10.2.dev20260603
libtpu: 0.0.44.dev20260713+nightly
codegen_flags: <defaults>
</compile_context>

<pallas_src>
import functools

import jax
import jax.numpy as jnp
from jax import lax
from jax.experimental import pallas as pl
from jax.experimental.pallas import tpu as pltpu
from jax.experimental.pallas import tpu_sc as plsc

_B, _C, _H, _W = 4, 19, 384, 384
_HW = _H * _W
_N = _B * _HW
_NT = 32
_SEG = 8
_RPT = _H // _SEG
_RB = 8
_CB = 128
_NRB = _RPT // _RB
_NCB = _W // _CB
_M = 128
_LPC = 16 * _M
_FGOFF = _C * _LPC
_HTOT = 2 * _C * _LPC
_ROWS = _NT * 2 * _C * 16


def _sc_hist(logits, labels):
    mesh = plsc.VectorSubcoreMesh(core_axis_name="c", subcore_axis_name="s")

    @functools.partial(
        pl.kernel,
        out_type=jax.ShapeDtypeStruct((_NT * _HTOT,), jnp.int32),
        mesh=mesh,
        compiler_params=pltpu.CompilerParams(needs_layout_passes=False),
        scratch_types=[
            pltpu.VMEM((_C, _RB, _CB), jnp.float32),
            pltpu.VMEM((_C, _RB, _CB), jnp.float32),
            pltpu.VMEM((_RB, _CB), jnp.int32),
            pltpu.VMEM((_RB, _CB), jnp.int32),
            pltpu.VMEM((_HTOT,), jnp.int32),
            pltpu.SemaphoreType.DMA,
            pltpu.SemaphoreType.DMA,
            pltpu.SemaphoreType.DMA,
            pltpu.SemaphoreType.DMA,
        ],
    )
    def hist_kernel(logits_hbm, labels_hbm, out_hbm,
                    blk0, blk1, lb0, lb1, hist_v, sl0, sl1, sb0, sb1):
        cid = lax.axis_index("c")
        sid = lax.axis_index("s")
        wid = cid * 16 + sid
        img = wid // _SEG
        row_base = (wid % _SEG) * _RPT

        zeros16 = jnp.zeros((16,), jnp.int32)

        def zero_body(i, carry):
            hist_v[pl.ds(i * 16, 16)] = zeros16
            return carry

        lax.fori_loop(0, _HTOT // 16, zero_body, 0, unroll=8)

        def copies(sub, bv, lv, sl, sb):
            r0 = row_base + (sub // _NCB) * _RB
            c0 = (sub % _NCB) * _CB
            return (
                pltpu.make_async_copy(
                    logits_hbm.at[img, :, pl.ds(r0, _RB), pl.ds(c0, _CB)],
                    bv, sl),
                pltpu.make_async_copy(
                    labels_hbm.at[img, pl.ds(r0, _RB), pl.ds(c0, _CB)],
                    lv, sb),
            )

        def issue(sub, bv, lv, sl, sb):
            for c in copies(sub, bv, lv, sl, sb):
                c.start()

        def wait(sub, bv, lv, sl, sb):
            for c in copies(sub, bv, lv, sl, sb):
                c.wait()

        def _tree(op, vals):
            while len(vals) > 1:
                nxt = [op(vals[i], vals[i + 1]) for i in range(0, len(vals) - 1, 2)]
                if len(vals) % 2:
                    nxt.append(vals[-1])
                vals = nxt
            return vals[0]

        lane16 = lax.broadcasted_iota(jnp.int32, (16,), 0)
        laneoff = lane16 * _M
        ones16 = jnp.full((16,), 1, jnp.int32)
        negones16 = jnp.full((16,), -1, jnp.int32)

        def process(bv, lv):
            def row_body(rr, c1):
                def chunk_body(kk, c2):
                    o16 = kk * 16
                    xs = [bv[c, rr, pl.ds(o16, 16)] for c in range(_C)]
                    es = [jnp.exp(x) for x in xs]
                    s = _tree(lambda a, b: a + b, list(es))
                    r_m = 127.5 / s
                    lbl = lv[rr, pl.ds(o16, 16)]
                    for c in range(_C):
                        sb = es[c] * r_m
                        idx = (sb + float(c * _LPC)).astype(jnp.int32) + laneoff
                        plsc.addupdate_scatter(hist_v, [idx], ones16)
                    rows16 = jnp.full((16,), rr, jnp.int32)
                    cols = o16 + lane16
                    xl = plsc.load_gather(bv, [lbl, rows16, cols])
                    sbl = jnp.exp(xl) * r_m
                    lbloff = lbl * _LPC + laneoff
                    bfg = jnp.maximum(127.5 - sbl, 0.0)
                    idxf = (bfg + float(_FGOFF)).astype(jnp.int32) + lbloff
                    plsc.addupdate_scatter(hist_v, [idxf], ones16)
                    idxc = sbl.astype(jnp.int32) + lbloff
                    plsc.addupdate_scatter(hist_v, [idxc], negones16)
                    return c2

                lax.fori_loop(0, _CB // 16, chunk_body, 0, unroll=2)
                return c1

            lax.fori_loop(0, _RB, row_body, 0)

        nsub = _NRB * _NCB
        issue(0, blk0, lb0, sl0, sb0)

        def outer(i, carry):
            b0 = 2 * i
            issue(b0 + 1, blk1, lb1, sl1, sb1)
            wait(b0, blk0, lb0, sl0, sb0)
            process(blk0, lb0)

            @pl.when(i < nsub // 2 - 1)
            def _():
                issue(b0 + 2, blk0, lb0, sl0, sb0)

            wait(b0 + 1, blk1, lb1, sl1, sb1)
            process(blk1, lb1)
            return carry

        lax.fori_loop(0, nsub // 2, outer, 0)
        pltpu.sync_copy(hist_v, out_hbm.at[pl.ds(wid * _HTOT, _HTOT)])

    return hist_kernel(logits, labels)


def _finalize_body(hist_ref, out_ref):
    h = hist_ref[...].astype(jnp.float32)
    rows2 = 2 * _C
    r_i = lax.broadcasted_iota(jnp.int32, (rows2, _ROWS), 0)
    j_i = lax.broadcasted_iota(jnp.int32, (rows2, _ROWS), 1)
    sel = ((j_i // 16) % rows2 == r_i).astype(jnp.float32)
    part = jnp.dot(sel, h, preferred_element_type=jnp.float32)
    bgh = part[:_C]
    fgh = part[_C:]
    cnt = bgh + fgh
    row = lax.broadcasted_iota(jnp.int32, (_M, _M), 0)
    colt = lax.broadcasted_iota(jnp.int32, (_M, _M), 1)
    tri = (row >= colt).astype(jnp.float32)
    both = jnp.concatenate([cnt, fgh], axis=0)
    suf = jnp.dot(both, tri, preferred_element_type=jnp.float32)
    ncum = suf[:_C]
    fcum = suf[_C:]
    ntot = ncum[:, 0:1]
    gts = fcum[:, 0:1]
    inter = gts - fcum
    union = gts + ncum - fcum
    jac = 1.0 - inter / jnp.maximum(union, 1.0)
    col = lax.broadcasted_iota(jnp.int32, jac.shape, 1)
    w = jnp.where(col == 0, 0.5, 1.0) * (1.0 / 127.5)
    losses = jnp.sum(jac * w, axis=-1)
    present = gts[:, 0] > 0.0
    count = jnp.sum(present.astype(jnp.float32))
    total = jnp.sum(jnp.where(present, losses, 0.0))
    res = jnp.where(count > 0.0, total / count, 0.0)
    out_ref[...] = jnp.broadcast_to(res, (1, 1))


def _finalize(hist2):
    return pl.pallas_call(
        _finalize_body,
        out_shape=jax.ShapeDtypeStruct((1, 1), jnp.float32),
    )(hist2)


def kernel(logits, labels):
    hist = _sc_hist(logits, labels)
    hist2 = hist.reshape(_ROWS, _M)
    return _finalize(hist2).reshape(())

# --- scband reference (transcript-rebuilt; emitter-appended) ---
"""Pipeline reference for scband-lovasz-softmax-74483322847645 (READ-ONLY COPY).

The authoritative reference and input builder live on the scoring server;
editing this copy changes nothing except your own understanding.
"""

import jax, jax.numpy as jnp
import numpy as np


def lovasz_grad(gt_sorted):
    p = gt_sorted.shape[0]
    gts = gt_sorted.sum()
    intersection = gts - jnp.cumsum(gt_sorted, axis=0)
    union = gts + jnp.cumsum(1.0 - gt_sorted, axis=0)
    jaccard = 1.0 - intersection / union
    if p > 1:
        jaccard = jnp.concatenate([jaccard[:1], jaccard[1:] - jaccard[:-1]], axis=0)
    return jaccard


def lovasz_softmax_flat(probas, labels, valid, classes='present'):
    if probas.size == 0:
        return (probas * 0.0).sum()
    C = probas.shape[1]
    losses = []
    presents = []
    class_to_sum = list(range(C)) if classes in ['all', 'present'] else classes
    for c in class_to_sum:
        fg = ((labels == c) & valid).astype(jnp.float32)
        if C == 1:
            class_pred = probas[:, 0]
        else:
            class_pred = probas[:, c]
        errors = jnp.where(valid, jnp.abs(fg - class_pred), 0.0)
        perm = jnp.argsort(-errors)  # descending sort order
        errors_sorted = errors[perm]
        fg_sorted = fg[perm]
        losses.append(jnp.dot(errors_sorted, lovasz_grad(fg_sorted)))
        presents.append(fg.sum() > 0)
    losses_arr = jnp.stack(losses)
    if classes == 'present':
        present_arr = jnp.stack(presents)
        count = present_arr.sum()
        total = jnp.sum(jnp.where(present_arr, losses_arr, 0.0))
        return jnp.where(count > 0, total / count, jnp.array(0.0, dtype=jnp.float32))
    return losses_arr.mean()


def _forward(logits, labels, classes='present', ignore_index=-100):
    probas = jax.nn.softmax(logits, axis=1)
    B, C, H, W = probas.shape
    probas_flat = jnp.transpose(probas, (0, 2, 3, 1)).reshape(-1, C)
    labels_flat = labels.reshape(-1)
    if ignore_index is not None:
        valid = labels_flat != ignore_index
    else:
        valid = jnp.ones(labels_flat.shape, dtype=bool)
    return lovasz_softmax_flat(probas_flat, labels_flat, valid, classes)


def setup_inputs(seed: int = 0):
    key = jax.random.key(seed)
    k1, k2 = jax.random.split(key)
    logits = jax.random.normal(k1, (4, 19, 384, 384), dtype=jnp.float32)
    labels = jax.random.randint(k2, (4, 384, 384), 0, 19, dtype=jnp.int32)
    return {"logits": logits, "labels": labels}


def reference(logits, labels):
    return _forward(logits, labels, classes='present', ignore_index=-100)

if __name__ == "__main__":
    import jax
    _d = setup_inputs()
    print(jax.jit(kernel)(*tuple(_d.values())))

</pallas_src>

<mosaic_0001>
#map = affine_map<(d0, d1) -> (0, 0, 0, 0)>
#map1 = affine_map<(d0, d1) -> (0, 0, 0)>
#map2 = affine_map<(d0, d1) -> (0)>
module attributes {stable_mosaic.version = 14 : i64} {
  func.func @hist_kernel(%arg0: i32, %arg1: i32, %arg2: memref<4x19x384x384xf32, #tpu.memory_space<hbm>>, %arg3: memref<4x384x384xi32, #tpu.memory_space<hbm>>, %arg4: memref<2490368xi32, #tpu.memory_space<hbm>>, %arg5: memref<19x8x128xf32, #tpu.memory_space<vmem>>, %arg6: memref<19x8x128xf32, #tpu.memory_space<vmem>>, %arg7: memref<8x128xi32, #tpu.memory_space<vmem>>, %arg8: memref<8x128xi32, #tpu.memory_space<vmem>>, %arg9: memref<77824xi32, #tpu.memory_space<vmem>>, %arg10: memref<!tpu.dma_semaphore, #tpu.memory_space<semaphore_mem>>, %arg11: memref<!tpu.dma_semaphore, #tpu.memory_space<semaphore_mem>>, %arg12: memref<!tpu.dma_semaphore, #tpu.memory_space<semaphore_mem>>, %arg13: memref<!tpu.dma_semaphore, #tpu.memory_space<semaphore_mem>>) attributes {dimension_semantics = [#tpu.dimension_semantics<core_parallel>, #tpu.dimension_semantics<subcore_parallel>], iteration_bounds = array<i64: 2, 16>, scalar_prefetch = 0 : i64, scratch_operands = 9 : i64, tpu.core_type = #tpu.core_type<sc_vector_subcore>, window_params = [{transform_indices = #map}, {transform_indices = #map1}, {transform_indices = #map2}]} {
    %mul3A = arith.constant 16 : i32
    %mul3A_0 = arith.muli %arg0, %mul3A : i32
    %add3A = arith.addi %mul3A_0, %arg1 : i32
    %jit3A = arith.constant 8 : i32
    %div3A = arith.divsi %add3A, %jit3A : i32
    %sign3A = arith.constant 0 : i32
    %sign3A_1 = arith.cmpi sgt, %add3A, %sign3A : i32
    %sign3A_2 = arith.extui %sign3A_1 : i1 to i32
    %sign3A_3 = arith.constant 0 : i32
    %sign3A_4 = arith.cmpi slt, %add3A, %sign3A_3 : i32
    %sign3A_5 = arith.extui %sign3A_4 : i1 to i32
    %sign3A_6 = arith.subi %sign3A_2, %sign3A_5 : i32
    %sign3A_7 = arith.constant 0 : i32
    %sign3A_8 = arith.cmpi sgt, %jit3A, %sign3A_7 : i32
    %sign3A_9 = arith.extui %sign3A_8 : i1 to i32
    %sign3A_10 = arith.constant 0 : i32
    %sign3A_11 = arith.cmpi slt, %jit3A, %sign3A_10 : i32
    %sign3A_12 = arith.extui %sign3A_11 : i1 to i32
    %sign3A_13 = arith.subi %sign3A_9, %sign3A_12 : i32
    %ne3A = arith.cmpi ne, %sign3A_6, %sign3A_13 : i32
    %rem3A = arith.remsi %add3A, %jit3A : i32
    %ne3A_14 = arith.constant 0 : i32
    %ne3A_15 = arith.cmpi ne, %rem3A, %ne3A_14 : i32
    %and3A = arith.andi %ne3A, %ne3A_15 : i1
    %sub3A = arith.constant 1 : i32
    %sub3A_16 = arith.subi %div3A, %sub3A : i32
    %select_n3A = arith.select %and3A, %sub3A_16, %div3A : i32
    %jit3A_17 = arith.constant 8 : i32
    %eq3A = arith.constant 0 : i32
    %eq3A_18 = arith.cmpi eq, %jit3A_17, %eq3A : i32
    %jit3A_19 = arith.constant 1 : i32
    %select_n3A_20 = arith.select %eq3A_18, %jit3A_19, %jit3A_17 : i32
    %rem3A_21 = arith.remsi %add3A, %select_n3A_20 : i32
    %ne3A_22 = arith.constant 0 : i32
    %ne3A_23 = arith.cmpi ne, %rem3A_21, %ne3A_22 : i32
    %lt3A = arith.constant 0 : i32
    %lt3A_24 = arith.cmpi slt, %rem3A_21, %lt3A : i32
    %lt3A_25 = arith.constant 0 : i32
    %lt3A_26 = arith.cmpi slt, %select_n3A_20, %lt3A_25 : i32
    %ne3A_27 = arith.xori %lt3A_24, %lt3A_26 : i1
    %and3A_28 = arith.andi %ne3A_27, %ne3A_23 : i1
    %add3A_29 = arith.addi %rem3A_21, %select_n3A_20 : i32
    %select_n3A_30 = arith.select %and3A_28, %add3A_29, %rem3A_21 : i32
    %mul3A_31 = arith.constant 48 : i32
    %mul3A_32 = arith.muli %select_n3A_30, %mul3A_31 : i32
    %broadcast_in_dim3A = arith.constant 0 : i32
    %broadcast_in_dim3A_33 = vector.broadcast %broadcast_in_dim3A : i32 to vector<16xi32>
    %scan3A = arith.constant 0 : i32
    %scan3A_34 = arith.constant 0 : i32
    %scan3A_35 = arith.constant 4864 : i32
    %scan3A_36 = arith.addi %scan3A_34, %scan3A_35 : i32
    %scan3A_37 = arith.constant 8 : i32
    scf.for %scan3A_69 = %scan3A_34 to %scan3A_36 step %scan3A_37  : i32 {
      %mul3A_70 = arith.constant 16 : i32
      %mul3A_71 = arith.muli %scan3A_69, %mul3A_70 : i32
      %swap3A = arith.index_cast %mul3A_71 : i32 to index
      %swap3A_72 = tpu.vector_load %arg9[%swap3A] {strides = array<i32>} : memref<77824xi32, #tpu.memory_space<vmem>>, vector<16xi32>,
      tpu.vector_store %arg9[%swap3A], %broadcast_in_dim3A_33 {strides = array<i32>} : memref<77824xi32, #tpu.memory_space<vmem>>, vector<16xi32>,
      %scan3A_73 = arith.constant 1 : i32
      %scan3A_74 = arith.addi %scan3A_69, %scan3A_73 : i32
      %mul3A_75 = arith.constant 16 : i32
      %mul3A_76 = arith.muli %scan3A_74, %mul3A_75 : i32
      %swap3A_77 = arith.index_cast %mul3A_76 : i32 to index
      %swap3A_78 = tpu.vector_load %arg9[%swap3A_77] {strides = array<i32>} : memref<77824xi32, #tpu.memory_space<vmem>>, vector<16xi32>,
      tpu.vector_store %arg9[%swap3A_77], %broadcast_in_dim3A_33 {strides = array<i32>} : memref<77824xi32, #tpu.memory_space<vmem>>, vector<16xi32>,
      %scan3A_79 = arith.constant 2 : i32
      %scan3A_80 = arith.addi %scan3A_69, %scan3A_79 : i32
      %mul3A_81 = arith.constant 16 : i32
      %mul3A_82 = arith.muli %scan3A_80, %mul3A_81 : i32
      %swap3A_83 = arith.index_cast %mul3A_82 : i32 to index
      %swap3A_84 = tpu.vector_load %arg9[%swap3A_83] {strides = array<i32>} : memref<77824xi32, #tpu.memory_space<vmem>>, vector<16xi32>,
      tpu.vector_store %arg9[%swap3A_83], %broadcast_in_dim3A_33 {strides = array<i32>} : memref<77824xi32, #tpu.memory_space<vmem>>, vector<16xi32>,
      %scan3A_85 = arith.constant 3 : i32
      %scan3A_86 = arith.addi %scan3A_69, %scan3A_85 : i32
      %mul3A_87 = arith.constant 16 : i32
      %mul3A_88 = arith.muli %scan3A_86, %mul3A_87 : i32
      %swap3A_89 = arith.index_cast %mul3A_88 : i32 to index
      %swap3A_90 = tpu.vector_load %arg9[%swap3A_89] {strides = array<i32>} : memref<77824xi32, #tpu.memory_space<vmem>>, vector<16xi32>,
      tpu.vector_store %arg9[%swap3A_89], %broadcast_in_dim3A_33 {strides = array<i32>} : memref<77824xi32, #tpu.memory_space<vmem>>, vector<16xi32>,
      %scan3A_91 = arith.constant 4 : i32
      %scan3A_92 = arith.addi %scan3A_69, %scan3A_91 : i32
      %mul3A_93 = arith.constant 16 : i32
      %mul3A_94 = arith.muli %scan3A_92, %mul3A_93 : i32
      %swap3A_95 = arith.index_cast %mul3A_94 : i32 to index
      %swap3A_96 = tpu.vector_load %arg9[%swap3A_95] {strides = array<i32>} : memref<77824xi32, #tpu.memory_space<vmem>>, vector<16xi32>,
      tpu.vector_store %arg9[%swap3A_95], %broadcast_in_dim3A_33 {strides = array<i32>} : memref<77824xi32, #tpu.memory_space<vmem>>, vector<16xi32>,
      %scan3A_97 = arith.constant 5 : i32
      %scan3A_98 = arith.addi %scan3A_69, %scan3A_97 : i32
      %mul3A_99 = arith.constant 16 : i32
      %mul3A_100 = arith.muli %scan3A_98, %mul3A_99 : i32
      %swap3A_101 = arith.index_cast %mul3A_100 : i32 to index
      %swap3A_102 = tpu.vector_load %arg9[%swap3A_101] {strides = array<i32>} : memref<77824xi32, #tpu.memory_space<vmem>>, vector<16xi32>,
      tpu.vector_store %arg9[%swap3A_101], %broadcast_in_dim3A_33 {strides = array<i32>} : memref<77824xi32, #tpu.memory_space<vmem>>, vector<16xi32>,
      %scan3A_103 = arith.constant 6 : i32
      %scan3A_104 = arith.addi %scan3A_69, %scan3A_103 : i32
      %mul3A_105 = arith.constant 16 : i32
      %mul3A_106 = arith.muli %scan3A_104, %mul3A_105 : i32
      %swap3A_107 = arith.index_cast %mul3A_106 : i32 to index
      %swap3A_108 = tpu.vector_load %arg9[%swap3A_107] {strides = array<i32>} : memref<77824xi32, #tpu.memory_space<vmem>>, vector<16xi32>,
      tpu.vector_store %arg9[%swap3A_107], %broadcast_in_dim3A_33 {strides = array<i32>} : memref<77824xi32, #tpu.memory_space<vmem>>, vector<16xi32>,
      %scan3A_109 = arith.constant 7 : i32
      %scan3A_110 = arith.addi %scan3A_69, %scan3A_109 : i32
      %mul3A_111 = arith.constant 16 : i32
      %mul3A_112 = arith.muli %scan3A_110, %mul3A_111 : i32
      %swap3A_113 = arith.index_cast %mul3A_112 : i32 to index
      %swap3A_114 = tpu.vector_load %arg9[%swap3A_113] {strides = array<i32>} : memref<77824xi32, #tpu.memory_space<vmem>>, vector<16xi32>,
      tpu.vector_store %arg9[%swap3A_113], %broadcast_in_dim3A_33 {strides = array<i32>} : memref<77824xi32, #tpu.memory_space<vmem>>, vector<16xi32>,
    }
    %scan3A_38 = arith.constant 4864 : i32
    %iota3A = tpu.iota {dimensions = array<i32: 0>} : vector<16xi32>
    %mul3A_39 = arith.constant 128 : i32
    %mul3A_40 = vector.broadcast %mul3A_39 : i32 to vector<16xi32>
    %mul3A_41 = arith.muli %iota3A, %mul3A_40 : vector<16xi32>
    %broadcast_in_dim3A_42 = arith.constant 1 : i32
    %broadcast_in_dim3A_43 = vector.broadcast %broadcast_in_dim3A_42 : i32 to vector<16xi32>
    %broadcast_in_dim3A_44 = arith.constant -1 : i32
    %broadcast_in_dim3A_45 = vector.broadcast %broadcast_in_dim3A_44 : i32 to vector<16xi32>
    %add3A_46 = arith.constant 0 : i32
    %add3A_47 = arith.addi %mul3A_32, %add3A_46 : i32
    %dma_start3A = arith.constant 0 : i32
    %dma_start3A_48 = arith.constant 0 : i32
    %dma_start3A_49 = tpu.memref_slice %arg2[%select_n3A, %dma_start3A, %add3A_47, %dma_start3A_48] : memref<4x19x384x384xf32, #tpu.memory_space<hbm>> -> memref<1x19x8x128xf32, #tpu.memory_space<hbm>>
    %dma_start3A_50 = tpu.memref_squeeze %dma_start3A_49 : memref<1x19x8x128xf32, #tpu.memory_space<hbm>> -> memref<19x8x128xf32, #tpu.memory_space<hbm>>
    %dma_start3A_51 = arith.constant 0 : i32
    %dma_start3A_52 = arith.constant 0 : i32
    %dma_start3A_53 = tpu.memref_slice %arg2[%select_n3A, %dma_start3A_51, %add3A_47, %dma_start3A_52] : memref<4x19x384x384xf32, #tpu.memory_space<hbm>> -> memref<1x19x8x128xf32, #tpu.memory_space<hbm>>
    %dma_start3A_54 = tpu.memref_squeeze %dma_start3A_53 : memref<1x19x8x128xf32, #tpu.memory_space<hbm>> -> memref<19x8x128xf32, #tpu.memory_space<hbm>>
    tpu.enqueue_dma source(%dma_start3A_54 : memref<19x8x128xf32, #tpu.memory_space<hbm>>) target(%arg5 : memref<19x8x128xf32, #tpu.memory_space<vmem>>) target_semaphore(%arg10 : memref<!tpu.dma_semaphore, #tpu.memory_space<semaphore_mem>>)
    %dma_start3A_55 = arith.constant 0 : i32
    %dma_start3A_56 = tpu.memref_slice %arg3[%select_n3A, %add3A_47, %dma_start3A_55] : memref<4x384x384xi32, #tpu.memory_space<hbm>> -> memref<1x8x128xi32, #tpu.memory_space<hbm>>
    %dma_start3A_57 = tpu.memref_squeeze %dma_start3A_56 : memref<1x8x128xi32, #tpu.memory_space<hbm>> -> memref<8x128xi32, #tpu.memory_space<hbm>>
    %dma_start3A_58 = arith.constant 0 : i32
    %dma_start3A_59 = tpu.memref_slice %arg3[%select_n3A, %add3A_47, %dma_start3A_58] : memref<4x384x384xi32, #tpu.memory_space<hbm>> -> memref<1x8x128xi32, #tpu.memory_space<hbm>>
    %dma_start3A_60 = tpu.memref_squeeze %dma_start3A_59 : memref<1x8x128xi32, #tpu.memory_space<hbm>> -> memref<8x128xi32, #tpu.memory_space<hbm>>
    tpu.enqueue_dma source(%dma_start3A_60 : memref<8x128xi32, #tpu.memory_space<hbm>>) target(%arg7 : memref<8x128xi32, #tpu.memory_space<vmem>>) target_semaphore(%arg12 : memref<!tpu.dma_semaphore, #tpu.memory_space<semaphore_mem>>)
    %scan3A_61 = arith.constant 0 : i32
    %scan3A_62 = arith.constant 0 : i32
    %scan3A_63 = arith.constant 9 : i32
    %scan3A_64 = arith.addi %scan3A_62, %scan3A_63 : i32
    %scan3A_65 = arith.constant 1 : i32
    scf.for %scan3A_69 = %scan3A_62 to %scan3A_64 step %scan3A_65  : i32 {
      %mul3A_70 = arith.constant 2 : i32
      %mul3A_71 = arith.muli %mul3A_70, %scan3A_69 : i32
      %add3A_72 = arith.constant 1 : i32
      %add3A_73 = arith.addi %mul3A_71, %add3A_72 : i32
      %jit3A_74 = arith.constant 3 : i32
      %div3A_75 = arith.divsi %add3A_73, %jit3A_74 : i32
      %sign3A_76 = arith.constant 0 : i32
      %sign3A_77 = arith.cmpi sgt, %add3A_73, %sign3A_76 : i32
      %sign3A_78 = arith.extui %sign3A_77 : i1 to i32
      %sign3A_79 = arith.constant 0 : i32
      %sign3A_80 = arith.cmpi slt, %add3A_73, %sign3A_79 : i32
      %sign3A_81 = arith.extui %sign3A_80 : i1 to i32
      %sign3A_82 = arith.subi %sign3A_78, %sign3A_81 : i32
      %sign3A_83 = arith.constant 0 : i32
      %sign3A_84 = arith.cmpi sgt, %jit3A_74, %sign3A_83 : i32
      %sign3A_85 = arith.extui %sign3A_84 : i1 to i32
      %sign3A_86 = arith.constant 0 : i32
      %sign3A_87 = arith.cmpi slt, %jit3A_74, %sign3A_86 : i32
      %sign3A_88 = arith.extui %sign3A_87 : i1 to i32
      %sign3A_89 = arith.subi %sign3A_85, %sign3A_88 : i32
      %ne3A_90 = arith.cmpi ne, %sign3A_82, %sign3A_89 : i32
      %rem3A_91 = arith.remsi %add3A_73, %jit3A_74 : i32
      %ne3A_92 = arith.constant 0 : i32
      %ne3A_93 = arith.cmpi ne, %rem3A_91, %ne3A_92 : i32
      %and3A_94 = arith.andi %ne3A_90, %ne3A_93 : i1
      %sub3A_95 = arith.constant 1 : i32
      %sub3A_96 = arith.subi %div3A_75, %sub3A_95 : i32
      %select_n3A_97 = arith.select %and3A_94, %sub3A_96, %div3A_75 : i32
      %mul3A_98 = arith.constant 8 : i32
      %mul3A_99 = arith.muli %select_n3A_97, %mul3A_98 : i32
      %add3A_100 = arith.addi %mul3A_32, %mul3A_99 : i32
      %jit3A_101 = arith.constant 3 : i32
      %eq3A_102 = arith.constant 0 : i32
      %eq3A_103 = arith.cmpi eq, %jit3A_101, %eq3A_102 : i32
      %jit3A_104 = arith.constant 1 : i32
      %select_n3A_105 = arith.select %eq3A_103, %jit3A_104, %jit3A_101 : i32
      %rem3A_106 = arith.remsi %add3A_73, %select_n3A_105 : i32
      %ne3A_107 = arith.constant 0 : i32
      %ne3A_108 = arith.cmpi ne, %rem3A_106, %ne3A_107 : i32
      %lt3A_109 = arith.constant 0 : i32
      %lt3A_110 = arith.cmpi slt, %rem3A_106, %lt3A_109 : i32
      %lt3A_111 = arith.constant 0 : i32
      %lt3A_112 = arith.cmpi slt, %select_n3A_105, %lt3A_111 : i32
      %ne3A_113 = arith.xori %lt3A_110, %lt3A_112 : i1
      %and3A_114 = arith.andi %ne3A_113, %ne3A_108 : i1
      %add3A_115 = arith.addi %rem3A_106, %select_n3A_105 : i32
      %select_n3A_116 = arith.select %and3A_114, %add3A_115, %rem3A_106 : i32
      %mul3A_117 = arith.constant 128 : i32
      %mul3A_118 = arith.muli %select_n3A_116, %mul3A_117 : i32
      %dma_start3A_119 = arith.constant 0 : i32
      %dma_start3A_120 = tpu.memref_slice %arg2[%select_n3A, %dma_start3A_119, %add3A_100, %mul3A_118] : memref<4x19x384x384xf32, #tpu.memory_space<hbm>> -> memref<1x19x8x128xf32, #tpu.memory_space<hbm>>
      %dma_start3A_121 = tpu.memref_squeeze %dma_start3A_120 : memref<1x19x8x128xf32, #tpu.memory_space<hbm>> -> memref<19x8x128xf32, #tpu.memory_space<hbm>>
      %dma_start3A_122 = arith.constant 0 : i32
      %dma_start3A_123 = tpu.memref_slice %arg2[%select_n3A, %dma_start3A_122, %add3A_100, %mul3A_118] : memref<4x19x384x384xf32, #tpu.memory_space<hbm>> -> memref<1x19x8x128xf32, #tpu.memory_space<hbm>>
      %dma_start3A_124 = tpu.memref_squeeze %dma_start3A_123 : memref<1x19x8x128xf32, #tpu.memory_space<hbm>> -> memref<19x8x128xf32, #tpu.memory_space<hbm>>
      tpu.enqueue_dma source(%dma_start3A_124 : memref<19x8x128xf32, #tpu.memory_space<hbm>>) target(%arg6 : memref<19x8x128xf32, #tpu.memory_space<vmem>>) target_semaphore(%arg11 : memref<!tpu.dma_semaphore, #tpu.memory_space<semaphore_mem>>)
      %dma_start3A_125 = tpu.memref_slice %arg3[%select_n3A, %add3A_100, %mul3A_118] : memref<4x384x384xi32, #tpu.memory_space<hbm>> -> memref<1x8x128xi32, #tpu.memory_space<hbm>>
      %dma_start3A_126 = tpu.memref_squeeze %dma_start3A_125 : memref<1x8x128xi32, #tpu.memory_space<hbm>> -> memref<8x128xi32, #tpu.memory_space<hbm>>
      %dma_start3A_127 = tpu.memref_slice %arg3[%select_n3A, %add3A_100, %mul3A_118] : memref<4x384x384xi32, #tpu.memory_space<hbm>> -> memref<1x8x128xi32, #tpu.memory_space<hbm>>
      %dma_start3A_128 = tpu.memref_squeeze %dma_start3A_127 : memref<1x8x128xi32, #tpu.memory_space<hbm>> -> memref<8x128xi32, #tpu.memory_space<hbm>>
      tpu.enqueue_dma source(%dma_start3A_128 : memref<8x128xi32, #tpu.memory_space<hbm>>) target(%arg8 : memref<8x128xi32, #tpu.memory_space<vmem>>) target_semaphore(%arg13 : memref<!tpu.dma_semaphore, #tpu.memory_space<semaphore_mem>>)
      %jit3A_129 = arith.constant 3 : i32
      %div3A_130 = arith.divsi %mul3A_71, %jit3A_129 : i32
      %sign3A_131 = arith.constant 0 : i32
      %sign3A_132 = arith.cmpi sgt, %mul3A_71, %sign3A_131 : i32
      %sign3A_133 = arith.extui %sign3A_132 : i1 to i32
      %sign3A_134 = arith.constant 0 : i32
      %sign3A_135 = arith.cmpi slt, %mul3A_71, %sign3A_134 : i32
      %sign3A_136 = arith.extui %sign3A_135 : i1 to i32
      %sign3A_137 = arith.subi %sign3A_133, %sign3A_136 : i32
      %sign3A_138 = arith.constant 0 : i32
      %sign3A_139 = arith.cmpi sgt, %jit3A_129, %sign3A_138 : i32
      %sign3A_140 = arith.extui %sign3A_139 : i1 to i32
      %sign3A_141 = arith.constant 0 : i32
      %sign3A_142 = arith.cmpi slt, %jit3A_129, %sign3A_141 : i32
      %sign3A_143 = arith.extui %sign3A_142 : i1 to i32
      %sign3A_144 = arith.subi %sign3A_140, %sign3A_143 : i32
      %ne3A_145 = arith.cmpi ne, %sign3A_137, %sign3A_144 : i32
      %rem3A_146 = arith.remsi %mul3A_71, %jit3A_129 : i32
      %ne3A_147 = arith.constant 0 : i32
      %ne3A_148 = arith.cmpi ne, %rem3A_146, %ne3A_147 : i32
      %and3A_149 = arith.andi %ne3A_145, %ne3A_148 : i1
      %sub3A_150 = arith.constant 1 : i32
      %sub3A_151 = arith.subi %div3A_130, %sub3A_150 : i32
      %select_n3A_152 = arith.select %and3A_149, %sub3A_151, %div3A_130 : i32
      %mul3A_153 = arith.constant 8 : i32
      %mul3A_154 = arith.muli %select_n3A_152, %mul3A_153 : i32
      %add3A_155 = arith.addi %mul3A_32, %mul3A_154 : i32
      %jit3A_156 = arith.constant 3 : i32
      %eq3A_157 = arith.constant 0 : i32
      %eq3A_158 = arith.cmpi eq, %jit3A_156, %eq3A_157 : i32
      %jit3A_159 = arith.constant 1 : i32
      %select_n3A_160 = arith.select %eq3A_158, %jit3A_159, %jit3A_156 : i32
      %rem3A_161 = arith.remsi %mul3A_71, %select_n3A_160 : i32
      %ne3A_162 = arith.constant 0 : i32
      %ne3A_163 = arith.cmpi ne, %rem3A_161, %ne3A_162 : i32
      %lt3A_164 = arith.constant 0 : i32
      %lt3A_165 = arith.cmpi slt, %rem3A_161, %lt3A_164 : i32
      %lt3A_166 = arith.constant 0 : i32
      %lt3A_167 = arith.cmpi slt, %select_n3A_160, %lt3A_166 : i32
      %ne3A_168 = arith.xori %lt3A_165, %lt3A_167 : i1
      %and3A_169 = arith.andi %ne3A_168, %ne3A_163 : i1
      %add3A_170 = arith.addi %rem3A_161, %select_n3A_160 : i32
      %select_n3A_171 = arith.select %and3A_169, %add3A_170, %rem3A_161 : i32
      %mul3A_172 = arith.constant 128 : i32
      %mul3A_173 = arith.muli %select_n3A_171, %mul3A_172 : i32
      %dma_wait3A = arith.constant 0 : i32
      %dma_wait3A_174 = tpu.memref_slice %arg2[%select_n3A, %dma_wait3A, %add3A_155, %mul3A_173] : memref<4x19x384x384xf32, #tpu.memory_space<hbm>> -> memref<1x19x8x128xf32, #tpu.memory_space<hbm>>
      %dma_wait3A_175 = tpu.memref_squeeze %dma_wait3A_174 : memref<1x19x8x128xf32, #tpu.memory_space<hbm>> -> memref<19x8x128xf32, #tpu.memory_space<hbm>>
      %dma_wait3A_176 = arith.constant 0 : i32
      %dma_wait3A_177 = tpu.memref_slice %arg2[%select_n3A, %dma_wait3A_176, %add3A_155, %mul3A_173] : memref<4x19x384x384xf32, #tpu.memory_space<hbm>> -> memref<1x19x8x128xf32, #tpu.memory_space<hbm>>
      %dma_wait3A_178 = tpu.memref_squeeze %dma_wait3A_177 : memref<1x19x8x128xf32, #tpu.memory_space<hbm>> -> memref<19x8x128xf32, #tpu.memory_space<hbm>>
      tpu.wait_dma2 semaphore(%arg10 : memref<!tpu.dma_semaphore, #tpu.memory_space<semaphore_mem>>) src(%dma_wait3A_178 : memref<19x8x128xf32, #tpu.memory_space<hbm>>) dst(%arg5 : memref<19x8x128xf32, #tpu.memory_space<vmem>>)
      %dma_wait3A_179 = tpu.memref_slice %arg3[%select_n3A, %add3A_155, %mul3A_173] : memref<4x384x384xi32, #tpu.memory_space<hbm>> -> memref<1x8x128xi32, #tpu.memory_space<hbm>>
      %dma_wait3A_180 = tpu.memref_squeeze %dma_wait3A_179 : memref<1x8x128xi32, #tpu.memory_space<hbm>> -> memref<8x128xi32, #tpu.memory_space<hbm>>
      %dma_wait3A_181 = tpu.memref_slice %arg3[%select_n3A, %add3A_155, %mul3A_173] : memref<4x384x384xi32, #tpu.memory_space<hbm>> -> memref<1x8x128xi32, #tpu.memory_space<hbm>>
      %dma_wait3A_182 = tpu.memref_squeeze %dma_wait3A_181 : memref<1x8x128xi32, #tpu.memory_space<hbm>> -> memref<8x128xi32, #tpu.memory_space<hbm>>
      tpu.wait_dma2 semaphore(%arg12 : memref<!tpu.dma_semaphore, #tpu.memory_space<semaphore_mem>>) src(%dma_wait3A_182 : memref<8x128xi32, #tpu.memory_space<hbm>>) dst(%arg7 : memref<8x128xi32, #tpu.memory_space<vmem>>)
      %scan3A_183 = arith.constant 0 : i32
      %scan3A_184 = arith.constant 0 : i32
      %scan3A_185 = arith.constant 8 : i32
      %scan3A_186 = arith.addi %scan3A_184, %scan3A_185 : i32
      %scan3A_187 = arith.constant 1 : i32
      scf.for %scan3A_255 = %scan3A_184 to %scan3A_186 step %scan3A_187  : i32 {
        %scan3A_256 = arith.constant 0 : i32
        %scan3A_257 = arith.constant 0 : i32
        %scan3A_258 = arith.constant 8 : i32
        %scan3A_259 = arith.addi %scan3A_257, %scan3A_258 : i32
        %scan3A_260 = arith.constant 2 : i32
        scf.for %scan3A_262 = %scan3A_257 to %scan3A_259 step %scan3A_260  : i32 {
          %mul3A_263 = arith.constant 16 : i32
          %mul3A_264 = arith.muli %scan3A_262, %mul3A_263 : i32
          %get3A = arith.constant 0 : i32
          %get3A_265 = arith.index_cast %get3A : i32 to index
          %get3A_266 = arith.index_cast %scan3A_255 : i32 to index
          %get3A_267 = arith.index_cast %mul3A_264 : i32 to index
          %get3A_268 = tpu.vector_load %arg5[%get3A_265, %get3A_266, %get3A_267] {strides = array<i32>} : memref<19x8x128xf32, #tpu.memory_space<vmem>>, vector<16xf32>,
          %get3A_269 = arith.constant 1 : i32
          %get3A_270 = arith.index_cast %get3A_269 : i32 to index
          %get3A_271 = arith.index_cast %scan3A_255 : i32 to index
          %get3A_272 = arith.index_cast %mul3A_264 : i32 to index
          %get3A_273 = tpu.vector_load %arg5[%get3A_270, %get3A_271, %get3A_272] {strides = array<i32>} : memref<19x8x128xf32, #tpu.memory_space<vmem>>, vector<16xf32>,
          %get3A_274 = arith.constant 2 : i32
          %get3A_275 = arith.index_cast %get3A_274 : i32 to index
          %get3A_276 = arith.index_cast %scan3A_255 : i32 to index
          %get3A_277 = arith.index_cast %mul3A_264 : i32 to index
          %get3A_278 = tpu.vector_load %arg5[%get3A_275, %get3A_276, %get3A_277] {strides = array<i32>} : memref<19x8x128xf32, #tpu.memory_space<vmem>>, vector<16xf32>,
          %get3A_279 = arith.constant 3 : i32
          %get3A_280 = arith.index_cast %get3A_279 : i32 to index
          %get3A_281 = arith.index_cast %scan3A_255 : i32 to index
          %get3A_282 = arith.index_cast %mul3A_264 : i32 to index
          %get3A_283 = tpu.vector_load %arg5[%get3A_280, %get3A_281, %get3A_282] {strides = array<i32>} : memref<19x8x128xf32, #tpu.memory_space<vmem>>, vector<16xf32>,
          %get3A_284 = arith.constant 4 : i32
          %get3A_285 = arith.index_cast %get3A_284 : i32 to index
          %get3A_286 = arith.index_cast %scan3A_255 : i32 to index
          %get3A_287 = arith.index_cast %mul3A_264 : i32 to index
          %get3A_288 = tpu.vector_load %arg5[%get3A_285, %get3A_286, %get3A_287] {strides = array<i32>} : memref<19x8x128xf32, #tpu.memory_space<vmem>>, vector<16xf32>,
          %get3A_289 = arith.constant 5 : i32
          %get3A_290 = arith.index_cast %get3A_289 : i32 to index
          %get3A_291 = arith.index_cast %scan3A_255 : i32 to index
          %get3A_292 = arith.index_cast %mul3A_264 : i32 to index
          %get3A_293 = tpu.vector_load %arg5[%get3A_290, %get3A_291, %get3A_292] {strides = array<i32>} : memref<19x8x128xf32, #tpu.memory_space<vmem>>, vector<16xf32>,
          %get3A_294 = arith.constant 6 : i32
          %get3A_295 = arith.index_cast %get3A_294 : i32 to index
          %get3A_296 = arith.index_cast %scan3A_255 : i32 to index
          %get3A_297 = arith.index_cast %mul3A_264 : i32 to index
          %get3A_298 = tpu.vector_load %arg5[%get3A_295, %get3A_296, %get3A_297] {strides = array<i32>} : memref<19x8x128xf32, #tpu.memory_space<vmem>>, vector<16xf32>,
          %get3A_299 = arith.constant 7 : i32
          %get3A_300 = arith.index_cast %get3A_299 : i32 to index
          %get3A_301 = arith.index_cast %scan3A_255 : i32 to index
          %get3A_302 = arith.index_cast %mul3A_264 : i32 to index
          %get3A_303 = tpu.vector_load %arg5[%get3A_300, %get3A_301, %get3A_302] {strides = array<i32>} : memref<19x8x128xf32, #tpu.memory_space<vmem>>, vector<16xf32>,
          %get3A_304 = arith.constant 8 : i32
          %get3A_305 = arith.index_cast %get3A_304 : i32 to index
          %get3A_306 = arith.index_cast %scan3A_255 : i32 to index
          %get3A_307 = arith.index_cast %mul3A_264 : i32 to index
          %get3A_308 = tpu.vector_load %arg5[%get3A_305, %get3A_306, %get3A_307] {strides = array<i32>} : memref<19x8x128xf32, #tpu.memory_space<vmem>>, vector<16xf32>,
          %get3A_309 = arith.constant 9 : i32
          %get3A_310 = arith.index_cast %get3A_309 : i32 to index
          %get3A_311 = arith.index_cast %scan3A_255 : i32 to index
          %get3A_312 = arith.index_cast %mul3A_264 : i32 to index
          %get3A_313 = tpu.vector_load %arg5[%get3A_310, %get3A_311, %get3A_312] {strides = array<i32>} : memref<19x8x128xf32, #tpu.memory_space<vmem>>, vector<16xf32>,
          %get3A_314 = arith.constant 10 : i32
          %get3A_315 = arith.index_cast %get3A_314 : i32 to index
          %get3A_316 = arith.index_cast %scan3A_255 : i32 to index
          %get3A_317 = arith.index_cast %mul3A_264 : i32 to index
          %get3A_318 = tpu.vector_load %arg5[%get3A_315, %get3A_316, %get3A_317] {strides = array<i32>} : memref<19x8x128xf32, #tpu.memory_space<vmem>>, vector<16xf32>,
          %get3A_319 = arith.constant 11 : i32
          %get3A_320 = arith.index_cast %get3A_319 : i32 to index
          %get3A_321 = arith.index_cast %scan3A_255 : i32 to index
          %get3A_322 = arith.index_cast %mul3A_264 : i32 to index
          %get3A_323 = tpu.vector_load %arg5[%get3A_320, %get3A_321, %get3A_322] {strides = array<i32>} : memref<19x8x128xf32, #tpu.memory_space<vmem>>, vector<16xf32>,
          %get3A_324 = arith.constant 12 : i32
          %get3A_325 = arith.index_cast %get3A_324 : i32 to index
          %get3A_326 = arith.index_cast %scan3A_255 : i32 to index
          %get3A_327 = arith.index_cast %mul3A_264 : i32 to index
          %get3A_328 = tpu.vector_load %arg5[%get3A_325, %get3A_326, %get3A_327] {strides = array<i32>} : memref<19x8x128xf32, #tpu.memory_space<vmem>>, vector<16xf32>,
          %get3A_329 = arith.constant 13 : i32
          %get3A_330 = arith.index_cast %get3A_329 : i32 to index
          %get3A_331 = arith.index_cast %scan3A_255 : i32 to index
          %get3A_332 = arith.index_cast %mul3A_264 : i32 to index
          %get3A_333 = tpu.vector_load %arg5[%get3A_330, %get3A_331, %get3A_332] {strides = array<i32>} : memref<19x8x128xf32, #tpu.memory_space<vmem>>, vector<16xf32>,
          %get3A_334 = arith.constant 14 : i32
          %get3A_335 = arith.index_cast %get3A_334 : i32 to index
          %get3A_336 = arith.index_cast %scan3A_255 : i32 to index
          %get3A_337 = arith.index_cast %mul3A_264 : i32 to index
          %get3A_338 = tpu.vector_load %arg5[%get3A_335, %get3A_336, %get3A_337] {strides = array<i32>} : memref<19x8x128xf32, #tpu.memory_space<vmem>>, vector<16xf32>,
          %get3A_339 = arith.constant 15 : i32
          %get3A_340 = arith.index_cast %get3A_339 : i32 to index
          %get3A_341 = arith.index_cast %scan3A_255 : i32 to index
          %get3A_342 = arith.index_cast %mul3A_264 : i32 to index
          %get3A_343 = tpu.vector_load %arg5[%get3A_340, %get3A_341, %get3A_342] {strides = array<i32>} : memref<19x8x128xf32, #tpu.memory_space<vmem>>, vector<16xf32>,
          %get3A_344 = arith.constant 16 : i32
          %get3A_345 = arith.index_cast %get3A_344 : i32 to index
          %get3A_346 = arith.index_cast %scan3A_255 : i32 to index
          %get3A_347 = arith.index_cast %mul3A_264 : i32 to index
          %get3A_348 = tpu.vector_load %arg5[%get3A_345, %get3A_346, %get3A_347] {strides = array<i32>} : memref<19x8x128xf32, #tpu.memory_space<vmem>>, vector<16xf32>,
          %get3A_349 = arith.constant 17 : i32
          %get3A_350 = arith.index_cast %get3A_349 : i32 to index
          %get3A_351 = arith.index_cast %scan3A_255 : i32 to index
          %get3A_352 = arith.index_cast %mul3A_264 : i32 to index
          %get3A_353 = tpu.vector_load %arg5[%get3A_350, %get3A_351, %get3A_352] {strides = array<i32>} : memref<19x8x128xf32, #tpu.memory_space<vmem>>, vector<16xf32>,
          %get3A_354 = arith.constant 18 : i32
          %get3A_355 = arith.index_cast %get3A_354 : i32 to index
          %get3A_356 = arith.index_cast %scan3A_255 : i32 to index
          %get3A_357 = arith.index_cast %mul3A_264 : i32 to index
          %get3A_358 = tpu.vector_load %arg5[%get3A_355, %get3A_356, %get3A_357] {strides = array<i32>} : memref<19x8x128xf32, #tpu.memory_space<vmem>>, vector<16xf32>,
          %exp3A = math.exp %get3A_268 : vector<16xf32>
          %exp3A_359 = math.exp %get3A_273 : vector<16xf32>
          %exp3A_360 = math.exp %get3A_278 : vector<16xf32>
          %exp3A_361 = math.exp %get3A_283 : vector<16xf32>
          %exp3A_362 = math.exp %get3A_288 : vector<16xf32>
          %exp3A_363 = math.exp %get3A_293 : vector<16xf32>
          %exp3A_364 = math.exp %get3A_298 : vector<16xf32>
          %exp3A_365 = math.exp %get3A_303 : vector<16xf32>
          %exp3A_366 = math.exp %get3A_308 : vector<16xf32>
          %exp3A_367 = math.exp %get3A_313 : vector<16xf32>
          %exp3A_368 = math.exp %get3A_318 : vector<16xf32>
          %exp3A_369 = math.exp %get3A_323 : vector<16xf32>
          %exp3A_370 = math.exp %get3A_328 : vector<16xf32>
          %exp3A_371 = math.exp %get3A_333 : vector<16xf32>
          %exp3A_372 = math.exp %get3A_338 : vector<16xf32>
          %exp3A_373 = math.exp %get3A_343 : vector<16xf32>
          %exp3A_374 = math.exp %get3A_348 : vector<16xf32>
          %exp3A_375 = math.exp %get3A_353 : vector<16xf32>
          %exp3A_376 = math.exp %get3A_358 : vector<16xf32>
          %add3A_377 = arith.addf %exp3A, %exp3A_359 : vector<16xf32>
          %add3A_378 = arith.addf %exp3A_360, %exp3A_361 : vector<16xf32>
          %add3A_379 = arith.addf %exp3A_362, %exp3A_363 : vector<16xf32>
          %add3A_380 = arith.addf %exp3A_364, %exp3A_365 : vector<16xf32>
          %add3A_381 = arith.addf %exp3A_366, %exp3A_367 : vector<16xf32>
          %add3A_382 = arith.addf %exp3A_368, %exp3A_369 : vector<16xf32>
          %add3A_383 = arith.addf %exp3A_370, %exp3A_371 : vector<16xf32>
          %add3A_384 = arith.addf %exp3A_372, %exp3A_373 : vector<16xf32>
          %add3A_385 = arith.addf %exp3A_374, %exp3A_375 : vector<16xf32>
          %add3A_386 = arith.addf %add3A_377, %add3A_378 : vector<16xf32>
          %add3A_387 = arith.addf %add3A_379, %add3A_380 : vector<16xf32>
          %add3A_388 = arith.addf %add3A_381, %add3A_382 : vector<16xf32>
          %add3A_389 = arith.addf %add3A_383, %add3A_384 : vector<16xf32>
          %add3A_390 = arith.addf %add3A_385, %exp3A_376 : vector<16xf32>
          %add3A_391 = arith.addf %add3A_386, %add3A_387 : vector<16xf32>
          %add3A_392 = arith.addf %add3A_388, %add3A_389 : vector<16xf32>
          %add3A_393 = arith.addf %add3A_391, %add3A_392 : vector<16xf32>
          %add3A_394 = arith.addf %add3A_393, %add3A_390 : vector<16xf32>
          %div3A_395 = arith.constant 1.275000e+02 : f32
          %div3A_396 = vector.broadcast %div3A_395 : f32 to vector<16xf32>
          %div3A_397 = arith.divf %div3A_396, %add3A_394 : vector<16xf32>
          %get3A_398 = arith.index_cast %scan3A_255 : i32 to index
          %get3A_399 = arith.index_cast %mul3A_264 : i32 to index
          %get3A_400 = tpu.vector_load %arg7[%get3A_398, %get3A_399] {strides = array<i32>} : memref<8x128xi32, #tpu.memory_space<vmem>>, vector<16xi32>,
          %mul3A_401 = arith.mulf %exp3A, %div3A_397 : vector<16xf32>
          %add3A_402 = arith.constant 0.000000e+00 : f32
          %add3A_403 = vector.broadcast %add3A_402 : f32 to vector<16xf32>
          %add3A_404 = arith.addf %mul3A_401, %add3A_403 : vector<16xf32>
          %convert_element_type3A_405 = arith.fptosi %add3A_404 : vector<16xf32> to vector<16xi32>
          %add3A_406 = arith.addi %convert_element_type3A_405, %mul3A_41 : vector<16xi32>
          tpu.vector_store_idx %arg9[%add3A_406], %broadcast_in_dim3A_43 {add = true} : memref<77824xi32, #tpu.memory_space<vmem>>[vector<16xi32>], vector<16xi32>,
          %mul3A_407 = arith.mulf %exp3A_359, %div3A_397 : vector<16xf32>
          %add3A_408 = arith.constant 2.048000e+03 : f32
          %add3A_409 = vector.broadcast %add3A_408 : f32 to vector<16xf32>
          %add3A_410 = arith.addf %mul3A_407, %add3A_409 : vector<16xf32>
          %convert_element_type3A_411 = arith.fptosi %add3A_410 : vector<16xf32> to vector<16xi32>
          %add3A_412 = arith.addi %convert_element_type3A_411, %mul3A_41 : vector<16xi32>
          tpu.vector_store_idx %arg9[%add3A_412], %broadcast_in_dim3A_43 {add = true} : memref<77824xi32, #tpu.memory_space<vmem>>[vector<16xi32>], vector<16xi32>,
          %mul3A_413 = arith.mulf %exp3A_360, %div3A_397 : vector<16xf32>
          %add3A_414 = arith.constant 4.096000e+03 : f32
          %add3A_415 = vector.broadcast %add3A_414 : f32 to vector<16xf32>
          %add3A_416 = arith.addf %mul3A_413, %add3A_415 : vector<16xf32>
          %convert_element_type3A_417 = arith.fptosi %add3A_416 : vector<16xf32> to vector<16xi32>
          %add3A_418 = arith.addi %convert_element_type3A_417, %mul3A_41 : vector<16xi32>
          tpu.vector_store_idx %arg9[%add3A_418], %broadcast_in_dim3A_43 {add = true} : memref<77824xi32, #tpu.memory_space<vmem>>[vector<16xi32>], vector<16xi32>,
          %mul3A_419 = arith.mulf %exp3A_361, %div3A_397 : vector<16xf32>
          %add3A_420 = arith.constant 6.144000e+03 : f32
          %add3A_421 = vector.broadcast %add3A_420 : f32 to vector<16xf32>
          %add3A_422 = arith.addf %mul3A_419, %add3A_421 : vector<16xf32>
          %convert_element_type3A_423 = arith.fptosi %add3A_422 : vector<16xf32> to vector<16xi32>
          %add3A_424 = arith.addi %convert_element_type3A_423, %mul3A_41 : vector<16xi32>
          tpu.vector_store_idx %arg9[%add3A_424], %broadcast_in_dim3A_43 {add = true} : memref<77824xi32, #tpu.memory_space<vmem>>[vector<16xi32>], vector<16xi32>,
          %mul3A_425 = arith.mulf %exp3A_362, %div3A_397 : vector<16xf32>
          %add3A_426 = arith.constant 8.192000e+03 : f32
          %add3A_427 = vector.broadcast %add3A_426 : f32 to vector<16xf32>
          %add3A_428 = arith.addf %mul3A_425, %add3A_427 : vector<16xf32>
          %convert_element_type3A_429 = arith.fptosi %add3A_428 : vector<16xf32> to vector<16xi32>
          %add3A_430 = arith.addi %convert_element_type3A_429, %mul3A_41 : vector<16xi32>
          tpu.vector_store_idx %arg9[%add3A_430], %broadcast_in_dim3A_43 {add = true} : memref<77824xi32, #tpu.memory_space<vmem>>[vector<16xi32>], vector<16xi32>,
          %mul3A_431 = arith.mulf %exp3A_363, %div3A_397 : vector<16xf32>
          %add3A_432 = arith.constant 1.024000e+04 : f32
          %add3A_433 = vector.broadcast %add3A_432 : f32 to vector<16xf32>
          %add3A_434 = arith.addf %mul3A_431, %add3A_433 : vector<16xf32>
          %convert_element_type3A_435 = arith.fptosi %add3A_434 : vector<16xf32> to vector<16xi32>
          %add3A_436 = arith.addi %convert_element_type3A_435, %mul3A_41 : vector<16xi32>
          tpu.vector_store_idx %arg9[%add3A_436], %broadcast_in_dim3A_43 {add = true} : memref<77824xi32, #tpu.memory_space<vmem>>[vector<16xi32>], vector<16xi32>,
          %mul3A_437 = arith.mulf %exp3A_364, %div3A_397 : vector<16xf32>
          %add3A_438 = arith.constant 1.228800e+04 : f32
          %add3A_439 = vector.broadcast %add3A_438 : f32 to vector<16xf32>
          %add3A_440 = arith.addf %mul3A_437, %add3A_439 : vector<16xf32>
          %convert_element_type3A_441 = arith.fptosi %add3A_440 : vector<16xf32> to vector<16xi32>
          %add3A_442 = arith.addi %convert_element_type3A_441, %mul3A_41 : vector<16xi32>
          tpu.vector_store_idx %arg9[%add3A_442], %broadcast_in_dim3A_43 {add = true} : memref<77824xi32, #tpu.memory_space<vmem>>[vector<16xi32>], vector<16xi32>,
          %mul3A_443 = arith.mulf %exp3A_365, %div3A_397 : vector<16xf32>
          %add3A_444 = arith.constant 1.433600e+04 : f32
          %add3A_445 = vector.broadcast %add3A_444 : f32 to vector<16xf32>
          %add3A_446 = arith.addf %mul3A_443, %add3A_445 : vector<16xf32>
          %convert_element_type3A_447 = arith.fptosi %add3A_446 : vector<16xf32> to vector<16xi32>
          %add3A_448 = arith.addi %convert_element_type3A_447, %mul3A_41 : vector<16xi32>
          tpu.vector_store_idx %arg9[%add3A_448], %broadcast_in_dim3A_43 {add = true} : memref<77824xi32, #tpu.memory_space<vmem>>[vector<16xi32>], vector<16xi32>,
          %mul3A_449 = arith.mulf %exp3A_366, %div3A_397 : vector<16xf32>
          %add3A_450 = arith.constant 1.638400e+04 : f32
          %add3A_451 = vector.broadcast %add3A_450 : f32 to vector<16xf32>
          %add3A_452 = arith.addf %mul3A_449, %add3A_451 : vector<16xf32>
          %convert_element_type3A_453 = arith.fptosi %add3A_452 : vector<16xf32> to vector<16xi32>
          %add3A_454 = arith.addi %convert_element_type3A_453, %mul3A_41 : vector<16xi32>
          tpu.vector_store_idx %arg9[%add3A_454], %broadcast_in_dim3A_43 {add = true} : memref<77824xi32, #tpu.memory_space<vmem>>[vector<16xi32>], vector<16xi32>,
          %mul3A_455 = arith.mulf %exp3A_367, %div3A_397 : vector<16xf32>
          %add3A_456 = arith.constant 1.843200e+04 : f32
          %add3A_457 = vector.broadcast %add3A_456 : f32 to vector<16xf32>
          %add3A_458 = arith.addf %mul3A_455, %add3A_457 : vector<16xf32>
          %convert_element_type3A_459 = arith.fptosi %add3A_458 : vector<16xf32> to vector<16xi32>
          %add3A_460 = arith.addi %convert_element_type3A_459, %mul3A_41 : vector<16xi32>
          tpu.vector_store_idx %arg9[%add3A_460], %broadcast_in_dim3A_43 {add = true} : memref<77824xi32, #tpu.memory_space<vmem>>[vector<16xi32>], vector<16xi32>,
          %mul3A_461 = arith.mulf %exp3A_368, %div3A_397 : vector<16xf32>
          %add3A_462 = arith.constant 2.048000e+04 : f32
          %add3A_463 = vector.broadcast %add3A_462 : f32 to vector<16xf32>
          %add3A_464 = arith.addf %mul3A_461, %add3A_463 : vector<16xf32>
          %convert_element_type3A_465 = arith.fptosi %add3A_464 : vector<16xf32> to vector<16xi32>
          %add3A_466 = arith.addi %convert_element_type3A_465, %mul3A_41 : vector<16xi32>
          tpu.vector_store_idx %arg9[%add3A_466], %broadcast_in_dim3A_43 {add = true} : memref<77824xi32, #tpu.memory_space<vmem>>[vector<16xi32>], vector<16xi32>,
          %mul3A_467 = arith.mulf %exp3A_369, %div3A_397 : vector<16xf32>
          %add3A_468 = arith.constant 2.252800e+04 : f32
          %add3A_469 = vector.broadcast %add3A_468 : f32 to vector<16xf32>
          %add3A_470 = arith.addf %mul3A_467, %add3A_469 : vector<16xf32>
          %convert_element_type3A_471 = arith.fptosi %add3A_470 : vector<16xf32> to vector<16xi32>
          %add3A_472 = arith.addi %convert_element_type3A_471, %mul3A_41 : vector<16xi32>
          tpu.vector_store_idx %arg9[%add3A_472], %broadcast_in_dim3A_43 {add = true} : memref<77824xi32, #tpu.memory_space<vmem>>[vector<16xi32>], vector<16xi32>,
          %mul3A_473 = arith.mulf %exp3A_370, %div3A_397 : vector<16xf32>
          %add3A_474 = arith.constant 2.457600e+04 : f32
          %add3A_475 = vector.broadcast %add3A_474 : f32 to vector<16xf32>
          %add3A_476 = arith.addf %mul3A_473, %add3A_475 : vector<16xf32>
          %convert_element_type3A_477 = arith.fptosi %add3A_476 : vector<16xf32> to vector<16xi32>
          %add3A_478 = arith.addi %convert_element_type3A_477, %mul3A_41 : vector<16xi32>
          tpu.vector_store_idx %arg9[%add3A_478], %broadcast_in_dim3A_43 {add = true} : memref<77824xi32, #tpu.memory_space<vmem>>[vector<16xi32>], vector<16xi32>,
          %mul3A_479 = arith.mulf %exp3A_371, %div3A_397 : vector<16xf32>
          %add3A_480 = arith.constant 2.662400e+04 : f32
          %add3A_481 = vector.broadcast %add3A_480 : f32 to vector<16xf32>
          %add3A_482 = arith.addf %mul3A_479, %add3A_481 : vector<16xf32>
          %convert_element_type3A_483 = arith.fptosi %add3A_482 : vector<16xf32> to vector<16xi32>
          %add3A_484 = arith.addi %convert_element_type3A_483, %mul3A_41 : vector<16xi32>
          tpu.vector_store_idx %arg9[%add3A_484], %broadcast_in_dim3A_43 {add = true} : memref<77824xi32, #tpu.memory_space<vmem>>[vector<16xi32>], vector<16xi32>,
          %mul3A_485 = arith.mulf %exp3A_372, %div3A_397 : vector<16xf32>
          %add3A_486 = arith.constant 2.867200e+04 : f32
          %add3A_487 = vector.broadcast %add3A_486 : f32 to vector<16xf32>
          %add3A_488 = arith.addf %mul3A_485, %add3A_487 : vector<16xf32>
          %convert_element_type3A_489 = arith.fptosi %add3A_488 : vector<16xf32> to vector<16xi32>
          %add3A_490 = arith.addi %convert_element_type3A_489, %mul3A_41 : vector<16xi32>
          tpu.vector_store_idx %arg9[%add3A_490], %broadcast_in_dim3A_43 {add = true} : memref<77824xi32, #tpu.memory_space<vmem>>[vector<16xi32>], vector<16xi32>,
          %mul3A_491 = arith.mulf %exp3A_373, %div3A_397 : vector<16xf32>
          %add3A_492 = arith.constant 3.072000e+04 : f32
          %add3A_493 = vector.broadcast %add3A_492 : f32 to vector<16xf32>
          %add3A_494 = arith.addf %mul3A_491, %add3A_493 : vector<16xf32>
          %convert_element_type3A_495 = arith.fptosi %add3A_494 : vector<16xf32> to vector<16xi32>
          %add3A_496 = arith.addi %convert_element_type3A_495, %mul3A_41 : vector<16xi32>
          tpu.vector_store_idx %arg9[%add3A_496], %broadcast_in_dim3A_43 {add = true} : memref<77824xi32, #tpu.memory_space<vmem>>[vector<16xi32>], vector<16xi32>,
          %mul3A_497 = arith.mulf %exp3A_374, %div3A_397 : vector<16xf32>
          %add3A_498 = arith.constant 3.276800e+04 : f32
          %add3A_499 = vector.broadcast %add3A_498 : f32 to vector<16xf32>
          %add3A_500 = arith.addf %mul3A_497, %add3A_499 : vector<16xf32>
          %convert_element_type3A_501 = arith.fptosi %add3A_500 : vector<16xf32> to vector<16xi32>
          %add3A_502 = arith.addi %convert_element_type3A_501, %mul3A_41 : vector<16xi32>
          tpu.vector_store_idx %arg9[%add3A_502], %broadcast_in_dim3A_43 {add = true} : memref<77824xi32, #tpu.memory_space<vmem>>[vector<16xi32>], vector<16xi32>,
          %mul3A_503 = arith.mulf %exp3A_375, %div3A_397 : vector<16xf32>
          %add3A_504 = arith.constant 3.481600e+04 : f32
          %add3A_505 = vector.broadcast %add3A_504 : f32 to vector<16xf32>
          %add3A_506 = arith.addf %mul3A_503, %add3A_505 : vector<16xf32>
          %convert_element_type3A_507 = arith.fptosi %add3A_506 : vector<16xf32> to vector<16xi32>
          %add3A_508 = arith.addi %convert_element_type3A_507, %mul3A_41 : vector<16xi32>
          tpu.vector_store_idx %arg9[%add3A_508], %broadcast_in_dim3A_43 {add = true} : memref<77824xi32, #tpu.memory_space<vmem>>[vector<16xi32>], vector<16xi32>,
          %mul3A_509 = arith.mulf %exp3A_376, %div3A_397 : vector<16xf32>
          %add3A_510 = arith.constant 3.686400e+04 : f32
          %add3A_511 = vector.broadcast %add3A_510 : f32 to vector<16xf32>
          %add3A_512 = arith.addf %mul3A_509, %add3A_511 : vector<16xf32>
          %convert_element_type3A_513 = arith.fptosi %add3A_512 : vector<16xf32> to vector<16xi32>
          %add3A_514 = arith.addi %convert_element_type3A_513, %mul3A_41 : vector<16xi32>
          tpu.vector_store_idx %arg9[%add3A_514], %broadcast_in_dim3A_43 {add = true} : memref<77824xi32, #tpu.memory_space<vmem>>[vector<16xi32>], vector<16xi32>,
          %broadcast_in_dim3A_515 = vector.broadcast %scan3A_255 : i32 to vector<16xi32>
          %add3A_516 = vector.broadcast %mul3A_264 : i32 to vector<16xi32>
          %add3A_517 = arith.addi %add3A_516, %iota3A : vector<16xi32>
          %gather3A = tpu.vector_load_idx %arg5[%get3A_400, %broadcast_in_dim3A_515, %add3A_517] : memref<19x8x128xf32, #tpu.memory_space<vmem>>[vector<16xi32>, vector<16xi32>, vector<16xi32>], vector<16xf32>,
          %exp3A_518 = math.exp %gather3A : vector<16xf32>
          %mul3A_519 = arith.mulf %exp3A_518, %div3A_397 : vector<16xf32>
          %mul3A_520 = arith.constant 2048 : i32
          %mul3A_521 = vector.broadcast %mul3A_520 : i32 to vector<16xi32>
          %mul3A_522 = arith.muli %get3A_400, %mul3A_521 : vector<16xi32>
          %add3A_523 = arith.addi %mul3A_522, %mul3A_41 : vector<16xi32>
          %sub3A_524 = arith.constant 1.275000e+02 : f32
          %sub3A_525 = vector.broadcast %sub3A_524 : f32 to vector<16xf32>
          %sub3A_526 = arith.subf %sub3A_525, %mul3A_519 : vector<16xf32>
          %max3A = arith.constant 0.000000e+00 : f32
          %max3A_527 = vector.broadcast %max3A : f32 to vector<16xf32>
          %max3A_528 = arith.maximumf %sub3A_526, %max3A_527 : vector<16xf32>
          %add3A_529 = arith.constant 3.891200e+04 : f32
          %add3A_530 = vector.broadcast %add3A_529 : f32 to vector<16xf32>
          %add3A_531 = arith.addf %max3A_528, %add3A_530 : vector<16xf32>
          %convert_element_type3A_532 = arith.fptosi %add3A_531 : vector<16xf32> to vector<16xi32>
          %add3A_533 = arith.addi %convert_element_type3A_532, %add3A_523 : vector<16xi32>
          tpu.vector_store_idx %arg9[%add3A_533], %broadcast_in_dim3A_43 {add = true} : memref<77824xi32, #tpu.memory_space<vmem>>[vector<16xi32>], vector<16xi32>,
          %convert_element_type3A_534 = arith.fptosi %mul3A_519 : vector<16xf32> to vector<16xi32>
          %add3A_535 = arith.addi %convert_element_type3A_534, %add3A_523 : vector<16xi32>
          tpu.vector_store_idx %arg9[%add3A_535], %broadcast_in_dim3A_45 {add = true} : memref<77824xi32, #tpu.memory_space<vmem>>[vector<16xi32>], vector<16xi32>,
          %scan3A_536 = arith.constant 1 : i32
          %scan3A_537 = arith.addi %scan3A_262, %scan3A_536 : i32
          %mul3A_538 = arith.constant 16 : i32
          %mul3A_539 = arith.muli %scan3A_537, %mul3A_538 : i32
          %get3A_540 = arith.constant 0 : i32
          %get3A_541 = arith.index_cast %get3A_540 : i32 to index
          %get3A_542 = arith.index_cast %scan3A_255 : i32 to index
          %get3A_543 = arith.index_cast %mul3A_539 : i32 to index
          %get3A_544 = tpu.vector_load %arg5[%get3A_541, %get3A_542, %get3A_543] {strides = array<i32>} : memref<19x8x128xf32, #tpu.memory_space<vmem>>, vector<16xf32>,
          %get3A_545 = arith.constant 1 : i32
          %get3A_546 = arith.index_cast %get3A_545 : i32 to index
          %get3A_547 = arith.index_cast %scan3A_255 : i32 to index
          %get3A_548 = arith.index_cast %mul3A_539 : i32 to index
          %get3A_549 = tpu.vector_load %arg5[%get3A_546, %get3A_547, %get3A_548] {strides = array<i32>} : memref<19x8x128xf32, #tpu.memory_space<vmem>>, vector<16xf32>,
          %get3A_550 = arith.constant 2 : i32
          %get3A_551 = arith.index_cast %get3A_550 : i32 to index
          %get3A_552 = arith.index_cast %scan3A_255 : i32 to index
          %get3A_553 = arith.index_cast %mul3A_539 : i32 to index
          %get3A_554 = tpu.vector_load %arg5[%get3A_551, %get3A_552, %get3A_553] {strides = array<i32>} : memref<19x8x128xf32, #tpu.memory_space<vmem>>, vector<16xf32>,
          %get3A_555 = arith.constant 3 : i32
          %get3A_556 = arith.index_cast %get3A_555 : i32 to index
          %get3A_557 = arith.index_cast %scan3A_255 : i32 to index
          %get3A_558 = arith.index_cast %mul3A_539 : i32 to index
          %get3A_559 = tpu.vector_load %arg5[%get3A_556, %get3A_557, %get3A_558] {strides = array<i32>} : memref<19x8x128xf32, #tpu.memory_space<vmem>>, vector<16xf32>,
          %get3A_560 = arith.constant 4 : i32
          %get3A_561 = arith.index_cast %get3A_560 : i32 to index
          %get3A_562 = arith.index_cast %scan3A_255 : i32 to index
          %get3A_563 = arith.index_cast %mul3A_539 : i32 to index
          %get3A_564 = tpu.vector_load %arg5[%get3A_561, %get3A_562, %get3A_563] {strides = array<i32>} : memref<19x8x128xf32, #tpu.memory_space<vmem>>, vector<16xf32>,
          %get3A_565 = arith.constant 5 : i32
          %get3A_566 = arith.index_cast %get3A_565 : i32 to index
          %get3A_567 = arith.index_cast %scan3A_255 : i32 to index
          %get3A_568 = arith.index_cast %mul3A_539 : i32 to index
          %get3A_569 = tpu.vector_load %arg5[%get3A_566, %get3A_567, %get3A_568] {strides = array<i32>} : memref<19x8x128xf32, #tpu.memory_space<vmem>>, vector<16xf32>,
          %get3A_570 = arith.constant 6 : i32
          %get3A_571 = arith.index_cast %get3A_570 : i32 to index
          %get3A_572 = arith.index_cast %scan3A_255 : i32 to index
          %get3A_573 = arith.index_cast %mul3A_539 : i32 to index
          %get3A_574 = tpu.vector_load %arg5[%get3A_571, %get3A_572, %get3A_573] {strides = array<i32>} : memref<19x8x128xf32, #tpu.memory_space<vmem>>, vector<16xf32>,
          %get3A_575 = arith.constant 7 : i32
          %get3A_576 = arith.index_cast %get3A_575 : i32 to index
          %get3A_577 = arith.index_cast %scan3A_255 : i32 to index
          %get3A_578 = arith.index_cast %mul3A_539 : i32 to index
          %get3A_579 = tpu.vector_load %arg5[%get3A_576, %get3A_577, %get3A_578] {strides = array<i32>} : memref<19x8x128xf32, #tpu.memory_space<vmem>>, vector<16xf32>,
          %get3A_580 = arith.constant 8 : i32
          %get3A_581 = arith.index_cast %get3A_580 : i32 to index
          %get3A_582 = arith.index_cast %scan3A_255 : i32 to index
          %get3A_583 = arith.index_cast %mul3A_539 : i32 to index
          %get3A_584 = tpu.vector_load %arg5[%get3A_581, %get3A_582, %get3A_583] {strides = array<i32>} : memref<19x8x128xf32, #tpu.memory_space<vmem>>, vector<16xf32>,
          %get3A_585 = arith.constant 9 : i32
          %get3A_586 = arith.index_cast %get3A_585 : i32 to index
          %get3A_587 = arith.index_cast %scan3A_255 : i32 to index
          %get3A_588 = arith.index_cast %mul3A_539 : i32 to index
          %get3A_589 = tpu.vector_load %arg5[%get3A_586, %get3A_587, %get3A_588] {strides = array<i32>} : memref<19x8x128xf32, #tpu.memory_space<vmem>>, vector<16xf32>,
          %get3A_590 = arith.constant 10 : i32
          %get3A_591 = arith.index_cast %get3A_590 : i32 to index
          %get3A_592 = arith.index_cast %scan3A_255 : i32 to index
          %get3A_593 = arith.index_cast %mul3A_539 : i32 to index
          %get3A_594 = tpu.vector_load %arg5[%get3A_591, %get3A_592, %get3A_593] {strides = array<i32>} : memref<19x8x128xf32, #tpu.memory_space<vmem>>, vector<16xf32>,
          %get3A_595 = arith.constant 11 : i32
          %get3A_596 = arith.index_cast %get3A_595 : i32 to index
          %get3A_597 = arith.index_cast %scan3A_255 : i32 to index
          %get3A_598 = arith.index_cast %mul3A_539 : i32 to index
          %get3A_599 = tpu.vector_load %arg5[%get3A_596, %get3A_597, %get3A_598] {strides = array<i32>} : memref<19x8x128xf32, #tpu.memory_space<vmem>>, vector<16xf32>,
          %get3A_600 = arith.constant 12 : i32
          %get3A_601 = arith.index_cast %get3A_600 : i32 to index
          %get3A_602 = arith.index_cast %scan3A_255 : i32 to index
          %get3A_603 = arith.index_cast %mul3A_539 : i32 to index
          %get3A_604 = tpu.vector_load %arg5[%get3A_601, %get3A_602, %get3A_603] {strides = array<i32>} : memref<19x8x128xf32, #tpu.memory_space<vmem>>, vector<16xf32>,
          %get3A_605 = arith.constant 13 : i32
          %get3A_606 = arith.index_cast %get3A_605 : i32 to index
          %get3A_607 = arith.index_cast %scan3A_255 : i32 to index
          %get3A_608 = arith.index_cast %mul3A_539 : i32 to index
          %get3A_609 = tpu.vector_load %arg5[%get3A_606, %get3A_607, %get3A_608] {strides = array<i32>} : memref<19x8x128xf32, #tpu.memory_space<vmem>>, vector<16xf32>,
          %get3A_610 = arith.constant 14 : i32
          %get3A_611 = arith.index_cast %get3A_610 : i32 to index
          %get3A_612 = arith.index_cast %scan3A_255 : i32 to index
          %get3A_613 = arith.index_cast %mul3A_539 : i32 to index
          %get3A_614 = tpu.vector_load %arg5[%get3A_611, %get3A_612, %get3A_613] {strides = array<i32>} : memref<19x8x128xf32, #tpu.memory_space<vmem>>, vector<16xf32>,
          %get3A_615 = arith.constant 15 : i32
          %get3A_616 = arith.index_cast %get3A_615 : i32 to index
          %get3A_617 = arith.index_cast %scan3A_255 : i32 to index
          %get3A_618 = arith.index_cast %mul3A_539 : i32 to index
          %get3A_619 = tpu.vector_load %arg5[%get3A_616, %get3A_617, %get3A_618] {strides = array<i32>} : memref<19x8x128xf32, #tpu.memory_space<vmem>>, vector<16xf32>,
          %get3A_620 = arith.constant 16 : i32
          %get3A_621 = arith.index_cast %get3A_620 : i32 to index
          %get3A_622 = arith.index_cast %scan3A_255 : i32 to index
          %get3A_623 = arith.index_cast %mul3A_539 : i32 to index
          %get3A_624 = tpu.vector_load %arg5[%get3A_621, %get3A_622, %get3A_623] {strides = array<i32>} : memref<19x8x128xf32, #tpu.memory_space<vmem>>, vector<16xf32>,
          %get3A_625 = arith.constant 17 : i32
          %get3A_626 = arith.index_cast %get3A_625 : i32 to index
          %get3A_627 = arith.index_cast %scan3A_255 : i32 to index
          %get3A_628 = arith.index_cast %mul3A_539 : i32 to index
          %get3A_629 = tpu.vector_load %arg5[%get3A_626, %get3A_627, %get3A_628] {strides = array<i32>} : memref<19x8x128xf32, #tpu.memory_space<vmem>>, vector<16xf32>,
          %get3A_630 = arith.constant 18 : i32
          %get3A_631 = arith.index_cast %get3A_630 : i32 to index
          %get3A_632 = arith.index_cast %scan3A_255 : i32 to index
          %get3A_633 = arith.index_cast %mul3A_539 : i32 to index
          %get3A_634 = tpu.vector_load %arg5[%get3A_631, %get3A_632, %get3A_633] {strides = array<i32>} : memref<19x8x128xf32, #tpu.memory_space<vmem>>, vector<16xf32>,
          %exp3A_635 = math.exp %get3A_544 : vector<16xf32>
          %exp3A_636 = math.exp %get3A_549 : vector<16xf32>
          %exp3A_637 = math.exp %get3A_554 : vector<16xf32>
          %exp3A_638 = math.exp %get3A_559 : vector<16xf32>
          %exp3A_639 = math.exp %get3A_564 : vector<16xf32>
          %exp3A_640 = math.exp %get3A_569 : vector<16xf32>
          %exp3A_641 = math.exp %get3A_574 : vector<16xf32>
          %exp3A_642 = math.exp %get3A_579 : vector<16xf32>
          %exp3A_643 = math.exp %get3A_584 : vector<16xf32>
          %exp3A_644 = math.exp %get3A_589 : vector<16xf32>
          %exp3A_645 = math.exp %get3A_594 : vector<16xf32>
          %exp3A_646 = math.exp %get3A_599 : vector<16xf32>
          %exp3A_647 = math.exp %get3A_604 : vector<16xf32>
          %exp3A_648 = math.exp %get3A_609 : vector<16xf32>
          %exp3A_649 = math.exp %get3A_614 : vector<16xf32>
          %exp3A_650 = math.exp %get3A_619 : vector<16xf32>
          %exp3A_651 = math.exp %get3A_624 : vector<16xf32>
          %exp3A_652 = math.exp %get3A_629 : vector<16xf32>
          %exp3A_653 = math.exp %get3A_634 : vector<16xf32>
          %add3A_654 = arith.addf %exp3A_635, %exp3A_636 : vector<16xf32>
          %add3A_655 = arith.addf %exp3A_637, %exp3A_638 : vector<16xf32>
          %add3A_656 = arith.addf %exp3A_639, %exp3A_640 : vector<16xf32>
          %add3A_657 = arith.addf %exp3A_641, %exp3A_642 : vector<16xf32>
          %add3A_658 = arith.addf %exp3A_643, %exp3A_644 : vector<16xf32>
          %add3A_659 = arith.addf %exp3A_645, %exp3A_646 : vector<16xf32>
          %add3A_660 = arith.addf %exp3A_647, %exp3A_648 : vector<16xf32>
          %add3A_661 = arith.addf %exp3A_649, %exp3A_650 : vector<16xf32>
          %add3A_662 = arith.addf %exp3A_651, %exp3A_652 : vector<16xf32>
          %add3A_663 = arith.addf %add3A_654, %add3A_655 : vector<16xf32>
          %add3A_664 = arith.addf %add3A_656, %add3A_657 : vector<16xf32>
          %add3A_665 = arith.addf %add3A_658, %add3A_659 : vector<16xf32>
          %add3A_666 = arith.addf %add3A_660, %add3A_661 : vector<16xf32>
          %add3A_667 = arith.addf %add3A_662, %exp3A_653 : vector<16xf32>
          %add3A_668 = arith.addf %add3A_663, %add3A_664 : vector<16xf32>
          %add3A_669 = arith.addf %add3A_665, %add3A_666 : vector<16xf32>
          %add3A_670 = arith.addf %add3A_668, %add3A_669 : vector<16xf32>
          %add3A_671 = arith.addf %add3A_670, %add3A_667 : vector<16xf32>
          %div3A_672 = arith.constant 1.275000e+02 : f32
          %div3A_673 = vector.broadcast %div3A_672 : f32 to vector<16xf32>
          %div3A_674 = arith.divf %div3A_673, %add3A_671 : vector<16xf32>
          %get3A_675 = arith.index_cast %scan3A_255 : i32 to index
          %get3A_676 = arith.index_cast %mul3A_539 : i32 to index
          %get3A_677 = tpu.vector_load %arg7[%get3A_675, %get3A_676] {strides = array<i32>} : memref<8x128xi32, #tpu.memory_space<vmem>>, vector<16xi32>,
          %mul3A_678 = arith.mulf %exp3A_635, %div3A_674 : vector<16xf32>
          %add3A_679 = arith.constant 0.000000e+00 : f32
          %add3A_680 = vector.broadcast %add3A_679 : f32 to vector<16xf32>
          %add3A_681 = arith.addf %mul3A_678, %add3A_680 : vector<16xf32>
          %convert_element_type3A_682 = arith.fptosi %add3A_681 : vector<16xf32> to vector<16xi32>
          %add3A_683 = arith.addi %convert_element_type3A_682, %mul3A_41 : vector<16xi32>
          tpu.vector_store_idx %arg9[%add3A_683], %broadcast_in_dim3A_43 {add = true} : memref<77824xi32, #tpu.memory_space<vmem>>[vector<16xi32>], vector<16xi32>,
          %mul3A_684 = arith.mulf %exp3A_636, %div3A_674 : vector<16xf32>
          %add3A_685 = arith.constant 2.048000e+03 : f32
          %add3A_686 = vector.broadcast %add3A_685 : f32 to vector<16xf32>
          %add3A_687 = arith.addf %mul3A_684, %add3A_686 : vector<16xf32>
          %convert_element_type3A_688 = arith.fptosi %add3A_687 : vector<16xf32> to vector<16xi32>
          %add3A_689 = arith.addi %convert_element_type3A_688, %mul3A_41 : vector<16xi32>
          tpu.vector_store_idx %arg9[%add3A_689], %broadcast_in_dim3A_43 {add = true} : memref<77824xi32, #tpu.memory_space<vmem>>[vector<16xi32>], vector<16xi32>,
          %mul3A_690 = arith.mulf %exp3A_637, %div3A_674 : vector<16xf32>
          %add3A_691 = arith.constant 4.096000e+03 : f32
          %add3A_692 = vector.broadcast %add3A_691 : f32 to vector<16xf32>
          %add3A_693 = arith.addf %mul3A_690, %add3A_692 : vector<16xf32>
          %convert_element_type3A_694 = arith.fptosi %add3A_693 : vector<16xf32> to vector<16xi32>
          %add3A_695 = arith.addi %convert_element_type3A_694, %mul3A_41 : vector<16xi32>
          tpu.vector_store_idx %arg9[%add3A_695], %broadcast_in_dim3A_43 {add = true} : memref<77824xi32, #tpu.memory_space<vmem>>[vector<16xi32>], vector<16xi32>,
          %mul3A_696 = arith.mulf %exp3A_638, %div3A_674 : vector<16xf32>
          %add3A_697 = arith.constant 6.144000e+03 : f32
          %add3A_698 = vector.broadcast %add3A_697 : f32 to vector<16xf32>
          %add3A_699 = arith.addf %mul3A_696, %add3A_698 : vector<16xf32>
          %convert_element_type3A_700 = arith.fptosi %add3A_699 : vector<16xf32> to vector<16xi32>
          %add3A_701 = arith.addi %convert_element_type3A_700, %mul3A_41 : vector<16xi32>
          tpu.vector_store_idx %arg9[%add3A_701], %broadcast_in_dim3A_43 {add = true} : memref<77824xi32, #tpu.memory_space<vmem>>[vector<16xi32>], vector<16xi32>,
          %mul3A_702 = arith.mulf %exp3A_639, %div3A_674 : vector<16xf32>
          %add3A_703 = arith.constant 8.192000e+03 : f32
          %add3A_704 = vector.broadcast %add3A_703 : f32 to vector<16xf32>
          %add3A_705 = arith.addf %mul3A_702, %add3A_704 : vector<16xf32>
          %convert_element_type3A_706 = arith.fptosi %add3A_705 : vector<16xf32> to vector<16xi32>
          %add3A_707 = arith.addi %convert_element_type3A_706, %mul3A_41 : vector<16xi32>
          tpu.vector_store_idx %arg9[%add3A_707], %broadcast_in_dim3A_43 {add = true} : memref<77824xi32, #tpu.memory_space<vmem>>[vector<16xi32>], vector<16xi32>,
          %mul3A_708 = arith.mulf %exp3A_640, %div3A_674 : vector<16xf32>
          %add3A_709 = arith.constant 1.024000e+04 : f32
          %add3A_710 = vector.broadcast %add3A_709 : f32 to vector<16xf32>
          %add3A_711 = arith.addf %mul3A_708, %add3A_710 : vector<16xf32>
          %convert_element_type3A_712 = arith.fptosi %add3A_711 : vector<16xf32> to vector<16xi32>
          %add3A_713 = arith.addi %convert_element_type3A_712, %mul3A_41 : vector<16xi32>
          tpu.vector_store_idx %arg9[%add3A_713], %broadcast_in_dim3A_43 {add = true} : memref<77824xi32, #tpu.memory_space<vmem>>[vector<16xi32>], vector<16xi32>,
          %mul3A_714 = arith.mulf %exp3A_641, %div3A_674 : vector<16xf32>
          %add3A_715 = arith.constant 1.228800e+04 : f32
          %add3A_716 = vector.broadcast %add3A_715 : f32 to vector<16xf32>
          %add3A_717 = arith.addf %mul3A_714, %add3A_716 : vector<16xf32>
          %convert_element_type3A_718 = arith.fptosi %add3A_717 : vector<16xf32> to vector<16xi32>
          %add3A_719 = arith.addi %convert_element_type3A_718, %mul3A_41 : vector<16xi32>
          tpu.vector_store_idx %arg9[%add3A_719], %broadcast_in_dim3A_43 {add = true} : memref<77824xi32, #tpu.memory_space<vmem>>[vector<16xi32>], vector<16xi32>,
          %mul3A_720 = arith.mulf %exp3A_642, %div3A_674 : vector<16xf32>
          %add3A_721 = arith.constant 1.433600e+04 : f32
          %add3A_722 = vector.broadcast %add3A_721 : f32 to vector<16xf32>
          %add3A_723 = arith.addf %mul3A_720, %add3A_722 : vector<16xf32>
          %convert_element_type3A_724 = arith.fptosi %add3A_723 : vector<16xf32> to vector<16xi32>
          %add3A_725 = arith.addi %convert_element_type3A_724, %mul3A_41 : vector<16xi32>
          tpu.vector_store_idx %arg9[%add3A_725], %broadcast_in_dim3A_43 {add = true} : memref<77824xi32, #tpu.memory_space<vmem>>[vector<16xi32>], vector<16xi32>,
          %mul3A_726 = arith.mulf %exp3A_643, %div3A_674 : vector<16xf32>
          %add3A_727 = arith.constant 1.638400e+04 : f32
          %add3A_728 = vector.broadcast %add3A_727 : f32 to vector<16xf32>
          %add3A_729 = arith.addf %mul3A_726, %add3A_728 : vector<16xf32>
          %convert_element_type3A_730 = arith.fptosi %add3A_729 : vector<16xf32> to vector<16xi32>
          %add3A_731 = arith.addi %convert_element_type3A_730, %mul3A_41 : vector<16xi32>
          tpu.vector_store_idx %arg9[%add3A_731], %broadcast_in_dim3A_43 {add = true} : memref<77824xi32, #tpu.memory_space<vmem>>[vector<16xi32>], vector<16xi32>,
          %mul3A_732 = arith.mulf %exp3A_644, %div3A_674 : vector<16xf32>
          %add3A_733 = arith.constant 1.843200e+04 : f32
          %add3A_734 = vector.broadcast %add3A_733 : f32 to vector<16xf32>
          %add3A_735 = arith.addf %mul3A_732, %add3A_734 : vector<16xf32>
          %convert_element_type3A_736 = arith.fptosi %add3A_735 : vector<16xf32> to vector<16xi32>
          %add3A_737 = arith.addi %convert_element_type3A_736, %mul3A_41 : vector<16xi32>
          tpu.vector_store_idx %arg9[%add3A_737], %broadcast_in_dim3A_43 {add = true} : memref<77824xi32, #tpu.memory_space<vmem>>[vector<16xi32>], vector<16xi32>,
          %mul3A_738 = arith.mulf %exp3A_645, %div3A_674 : vector<16xf32>
          %add3A_739 = arith.constant 2.048000e+04 : f32
          %add3A_740 = vector.broadcast %add3A_739 : f32 to vector<16xf32>
          %add3A_741 = arith.addf %mul3A_738, %add3A_740 : vector<16xf32>
          %convert_element_type3A_742 = arith.fptosi %add3A_741 : vector<16xf32> to vector<16xi32>
          %add3A_743 = arith.addi %convert_element_type3A_742, %mul3A_41 : vector<16xi32>
          tpu.vector_store_idx %arg9[%add3A_743], %broadcast_in_dim3A_43 {add = true} : memref<77824xi32, #tpu.memory_space<vmem>>[vector<16xi32>], vector<16xi32>,
          %mul3A_744 = arith.mulf %exp3A_646, %div3A_674 : vector<16xf32>
          %add3A_745 = arith.constant 2.252800e+04 : f32
          %add3A_746 = vector.broadcast %add3A_745 : f32 to vector<16xf32>
          %add3A_747 = arith.addf %mul3A_744, %add3A_746 : vector<16xf32>
          %convert_element_type3A_748 = arith.fptosi %add3A_747 : vector<16xf32> to vector<16xi32>
          %add3A_749 = arith.addi %convert_element_type3A_748, %mul3A_41 : vector<16xi32>
          tpu.vector_store_idx %arg9[%add3A_749], %broadcast_in_dim3A_43 {add = true} : memref<77824xi32, #tpu.memory_space<vmem>>[vector<16xi32>], vector<16xi32>,
          %mul3A_750 = arith.mulf %exp3A_647, %div3A_674 : vector<16xf32>
          %add3A_751 = arith.constant 2.457600e+04 : f32
          %add3A_752 = vector.broadcast %add3A_751 : f32 to vector<16xf32>
          %add3A_753 = arith.addf %mul3A_750, %add3A_752 : vector<16xf32>
          %convert_element_type3A_754 = arith.fptosi %add3A_753 : vector<16xf32> to vector<16xi32>
          %add3A_755 = arith.addi %convert_element_type3A_754, %mul3A_41 : vector<16xi32>
          tpu.vector_store_idx %arg9[%add3A_755], %broadcast_in_dim3A_43 {add = true} : memref<77824xi32, #tpu.memory_space<vmem>>[vector<16xi32>], vector<16xi32>,
          %mul3A_756 = arith.mulf %exp3A_648, %div3A_674 : vector<16xf32>
          %add3A_757 = arith.constant 2.662400e+04 : f32
          %add3A_758 = vector.broadcast %add3A_757 : f32 to vector<16xf32>
          %add3A_759 = arith.addf %mul3A_756, %add3A_758 : vector<16xf32>
          %convert_element_type3A_760 = arith.fptosi %add3A_759 : vector<16xf32> to vector<16xi32>
          %add3A_761 = arith.addi %convert_element_type3A_760, %mul3A_41 : vector<16xi32>
          tpu.vector_store_idx %arg9[%add3A_761], %broadcast_in_dim3A_43 {add = true} : memref<77824xi32, #tpu.memory_space<vmem>>[vector<16xi32>], vector<16xi32>,
          %mul3A_762 = arith.mulf %exp3A_649, %div3A_674 : vector<16xf32>
          %add3A_763 = arith.constant 2.867200e+04 : f32
          %add3A_764 = vector.broadcast %add3A_763 : f32 to vector<16xf32>
          %add3A_765 = arith.addf %mul3A_762, %add3A_764 : vector<16xf32>
          %convert_element_type3A_766 = arith.fptosi %add3A_765 : vector<16xf32> to vector<16xi32>
          %add3A_767 = arith.addi %convert_element_type3A_766, %mul3A_41 : vector<16xi32>
          tpu.vector_store_idx %arg9[%add3A_767], %broadcast_in_dim3A_43 {add = true} : memref<77824xi32, #tpu.memory_space<vmem>>[vector<16xi32>], vector<16xi32>,
          %mul3A_768 = arith.mulf %exp3A_650, %div3A_674 : vector<16xf32>
          %add3A_769 = arith.constant 3.072000e+04 : f32
          %add3A_770 = vector.broadcast %add3A_769 : f32 to vector<16xf32>
          %add3A_771 = arith.addf %mul3A_768, %add3A_770 : vector<16xf32>
          %convert_element_type3A_772 = arith.fptosi %add3A_771 : vector<16xf32> to vector<16xi32>
          %add3A_773 = arith.addi %convert_element_type3A_772, %mul3A_41 : vector<16xi32>
          tpu.vector_store_idx %arg9[%add3A_773], %broadcast_in_dim3A_43 {add = true} : memref<77824xi32, #tpu.memory_space<vmem>>[vector<16xi32>], vector<16xi32>,
          %mul3A_774 = arith.mulf %exp3A_651, %div3A_674 : vector<16xf32>
          %add3A_775 = arith.constant 3.276800e+04 : f32
          %add3A_776 = vector.broadcast %add3A_775 : f32 to vector<16xf32>
          %add3A_777 = arith.addf %mul3A_774, %add3A_776 : vector<16xf32>
          %convert_element_type3A_778 = arith.fptosi %add3A_777 : vector<16xf32> to vector<16xi32>
          %add3A_779 = arith.addi %convert_element_type3A_778, %mul3A_41 : vector<16xi32>
          tpu.vector_store_idx %arg9[%add3A_779], %broadcast_in_dim3A_43 {add = true} : memref<77824xi32, #tpu.memory_space<vmem>>[vector<16xi32>], vector<16xi32>,
          %mul3A_780 = arith.mulf %exp3A_652, %div3A_674 : vector<16xf32>
          %add3A_781 = arith.constant 3.481600e+04 : f32
          %add3A_782 = vector.broadcast %add3A_781 : f32 to vector<16xf32>
          %add3A_783 = arith.addf %mul3A_780, %add3A_782 : vector<16xf32>
          %convert_element_type3A_784 = arith.fptosi %add3A_783 : vector<16xf32> to vector<16xi32>
          %add3A_785 = arith.addi %convert_element_type3A_784, %mul3A_41 : vector<16xi32>
          tpu.vector_store_idx %arg9[%add3A_785], %broadcast_in_dim3A_43 {add = true} : memref<77824xi32, #tpu.memory_space<vmem>>[vector<16xi32>], vector<16xi32>,
          %mul3A_786 = arith.mulf %exp3A_653, %div3A_674 : vector<16xf32>
          %add3A_787 = arith.constant 3.686400e+04 : f32
          %add3A_788 = vector.broadcast %add3A_787 : f32 to vector<16xf32>
          %add3A_789 = arith.addf %mul3A_786, %add3A_788 : vector<16xf32>
          %convert_element_type3A_790 = arith.fptosi %add3A_789 : vector<16xf32> to vector<16xi32>
          %add3A_791 = arith.addi %convert_element_type3A_790, %mul3A_41 : vector<16xi32>
          tpu.vector_store_idx %arg9[%add3A_791], %broadcast_in_dim3A_43 {add = true} : memref<77824xi32, #tpu.memory_space<vmem>>[vector<16xi32>], vector<16xi32>,
          %broadcast_in_dim3A_792 = vector.broadcast %scan3A_255 : i32 to vector<16xi32>
          %add3A_793 = vector.broadcast %mul3A_539 : i32 to vector<16xi32>
          %add3A_794 = arith.addi %add3A_793, %iota3A : vector<16xi32>
          %gather3A_795 = tpu.vector_load_idx %arg5[%get3A_677, %broadcast_in_dim3A_792, %add3A_794] : memref<19x8x128xf32, #tpu.memory_space<vmem>>[vector<16xi32>, vector<16xi32>, vector<16xi32>], vector<16xf32>,
          %exp3A_796 = math.exp %gather3A_795 : vector<16xf32>
          %mul3A_797 = arith.mulf %exp3A_796, %div3A_674 : vector<16xf32>
          %mul3A_798 = arith.constant 2048 : i32
          %mul3A_799 = vector.broadcast %mul3A_798 : i32 to vector<16xi32>
          %mul3A_800 = arith.muli %get3A_677, %mul3A_799 : vector<16xi32>
          %add3A_801 = arith.addi %mul3A_800, %mul3A_41 : vector<16xi32>
          %sub3A_802 = arith.constant 1.275000e+02 : f32
          %sub3A_803 = vector.broadcast %sub3A_802 : f32 to vector<16xf32>
          %sub3A_804 = arith.subf %sub3A_803, %mul3A_797 : vector<16xf32>
          %max3A_805 = arith.constant 0.000000e+00 : f32
          %max3A_806 = vector.broadcast %max3A_805 : f32 to vector<16xf32>
          %max3A_807 = arith.maximumf %sub3A_804, %max3A_806 : vector<16xf32>
          %add3A_808 = arith.constant 3.891200e+04 : f32
          %add3A_809 = vector.broadcast %add3A_808 : f32 to vector<16xf32>
          %add3A_810 = arith.addf %max3A_807, %add3A_809 : vector<16xf32>
          %convert_element_type3A_811 = arith.fptosi %add3A_810 : vector<16xf32> to vector<16xi32>
          %add3A_812 = arith.addi %convert_element_type3A_811, %add3A_801 : vector<16xi32>
          tpu.vector_store_idx %arg9[%add3A_812], %broadcast_in_dim3A_43 {add = true} : memref<77824xi32, #tpu.memory_space<vmem>>[vector<16xi32>], vector<16xi32>,
          %convert_element_type3A_813 = arith.fptosi %mul3A_797 : vector<16xf32> to vector<16xi32>
          %add3A_814 = arith.addi %convert_element_type3A_813, %add3A_801 : vector<16xi32>
          tpu.vector_store_idx %arg9[%add3A_814], %broadcast_in_dim3A_45 {add = true} : memref<77824xi32, #tpu.memory_space<vmem>>[vector<16xi32>], vector<16xi32>,
        }
        %scan3A_261 = arith.constant 8 : i32
      }
      %scan3A_188 = arith.constant 8 : i32
      %lt3A_189 = arith.constant 8 : i32
      %lt3A_190 = arith.cmpi slt, %scan3A_69, %lt3A_189 : i32
      %convert_element_type3A = arith.extui %lt3A_190 : i1 to i32
      %cond3A = arith.constant 0 : i32
      %cond3A_191 = arith.cmpi ne, %convert_element_type3A, %cond3A : i32
      scf.if %cond3A_191 {
        %add3A_255 = arith.constant 2 : i32
        %add3A_256 = arith.addi %mul3A_71, %add3A_255 : i32
        %jit3A_257 = arith.constant 3 : i32
        %div3A_258 = arith.divsi %add3A_256, %jit3A_257 : i32
        %sign3A_259 = arith.constant 0 : i32
        %sign3A_260 = arith.cmpi sgt, %add3A_256, %sign3A_259 : i32
        %sign3A_261 = arith.extui %sign3A_260 : i1 to i32
        %sign3A_262 = arith.constant 0 : i32
        %sign3A_263 = arith.cmpi slt, %add3A_256, %sign3A_262 : i32
        %sign3A_264 = arith.extui %sign3A_263 : i1 to i32
        %sign3A_265 = arith.subi %sign3A_261, %sign3A_264 : i32
        %sign3A_266 = arith.constant 0 : i32
        %sign3A_267 = arith.cmpi sgt, %jit3A_257, %sign3A_266 : i32
        %sign3A_268 = arith.extui %sign3A_267 : i1 to i32
        %sign3A_269 = arith.constant 0 : i32
        %sign3A_270 = arith.cmpi slt, %jit3A_257, %sign3A_269 : i32
        %sign3A_271 = arith.extui %sign3A_270 : i1 to i32
        %sign3A_272 = arith.subi %sign3A_268, %sign3A_271 : i32
        %ne3A_273 = arith.cmpi ne, %sign3A_265, %sign3A_272 : i32
        %rem3A_274 = arith.remsi %add3A_256, %jit3A_257 : i32
        %ne3A_275 = arith.constant 0 : i32
        %ne3A_276 = arith.cmpi ne, %rem3A_274, %ne3A_275 : i32
        %and3A_277 = arith.andi %ne3A_273, %ne3A_276 : i1
        %sub3A_278 = arith.constant 1 : i32
        %sub3A_279 = arith.subi %div3A_258, %sub3A_278 : i32
        %select_n3A_280 = arith.select %and3A_277, %sub3A_279, %div3A_258 : i32
        %mul3A_281 = arith.constant 8 : i32
        %mul3A_282 = arith.muli %select_n3A_280, %mul3A_281 : i32
        %add3A_283 = arith.addi %mul3A_32, %mul3A_282 : i32
        %jit3A_284 = arith.constant 3 : i32
        %eq3A_285 = arith.constant 0 : i32
        %eq3A_286 = arith.cmpi eq, %jit3A_284, %eq3A_285 : i32
        %jit3A_287 = arith.constant 1 : i32
        %select_n3A_288 = arith.select %eq3A_286, %jit3A_287, %jit3A_284 : i32
        %rem3A_289 = arith.remsi %add3A_256, %select_n3A_288 : i32
        %ne3A_290 = arith.constant 0 : i32
        %ne3A_291 = arith.cmpi ne, %rem3A_289, %ne3A_290 : i32
        %lt3A_292 = arith.constant 0 : i32
        %lt3A_293 = arith.cmpi slt, %rem3A_289, %lt3A_292 : i32
        %lt3A_294 = arith.constant 0 : i32
        %lt3A_295 = arith.cmpi slt, %select_n3A_288, %lt3A_294 : i32
        %ne3A_296 = arith.xori %lt3A_293, %lt3A_295 : i1
        %and3A_297 = arith.andi %ne3A_296, %ne3A_291 : i1
        %add3A_298 = arith.addi %rem3A_289, %select_n3A_288 : i32
        %select_n3A_299 = arith.select %and3A_297, %add3A_298, %rem3A_289 : i32
        %mul3A_300 = arith.constant 128 : i32
        %mul3A_301 = arith.muli %select_n3A_299, %mul3A_300 : i32
        %dma_start3A_302 = arith.constant 0 : i32
        %dma_start3A_303 = tpu.memref_slice %arg2[%select_n3A, %dma_start3A_302, %add3A_283, %mul3A_301] : memref<4x19x384x384xf32, #tpu.memory_space<hbm>> -> memref<1x19x8x128xf32, #tpu.memory_space<hbm>>
        %dma_start3A_304 = tpu.memref_squeeze %dma_start3A_303 : memref<1x19x8x128xf32, #tpu.memory_space<hbm>> -> memref<19x8x128xf32, #tpu.memory_space<hbm>>
        %dma_start3A_305 = arith.constant 0 : i32
        %dma_start3A_306 = tpu.memref_slice %arg2[%select_n3A, %dma_start3A_305, %add3A_283, %mul3A_301] : memref<4x19x384x384xf32, #tpu.memory_space<hbm>> -> memref<1x19x8x128xf32, #tpu.memory_space<hbm>>
        %dma_start3A_307 = tpu.memref_squeeze %dma_start3A_306 : memref<1x19x8x128xf32, #tpu.memory_space<hbm>> -> memref<19x8x128xf32, #tpu.memory_space<hbm>>
        tpu.enqueue_dma source(%dma_start3A_307 : memref<19x8x128xf32, #tpu.memory_space<hbm>>) target(%arg5 : memref<19x8x128xf32, #tpu.memory_space<vmem>>) target_semaphore(%arg10 : memref<!tpu.dma_semaphore, #tpu.memory_space<semaphore_mem>>)
        %dma_start3A_308 = tpu.memref_slice %arg3[%select_n3A, %add3A_283, %mul3A_301] : memref<4x384x384xi32, #tpu.memory_space<hbm>> -> memref<1x8x128xi32, #tpu.memory_space<hbm>>
        %dma_start3A_309 = tpu.memref_squeeze %dma_start3A_308 : memref<1x8x128xi32, #tpu.memory_space<hbm>> -> memref<8x128xi32, #tpu.memory_space<hbm>>
        %dma_start3A_310 = tpu.memref_slice %arg3[%select_n3A, %add3A_283, %mul3A_301] : memref<4x384x384xi32, #tpu.memory_space<hbm>> -> memref<1x8x128xi32, #tpu.memory_space<hbm>>
        %dma_start3A_311 = tpu.memref_squeeze %dma_start3A_310 : memref<1x8x128xi32, #tpu.memory_space<hbm>> -> memref<8x128xi32, #tpu.memory_space<hbm>>
        tpu.enqueue_dma source(%dma_start3A_311 : memref<8x128xi32, #tpu.memory_space<hbm>>) target(%arg7 : memref<8x128xi32, #tpu.memory_space<vmem>>) target_semaphore(%arg12 : memref<!tpu.dma_semaphore, #tpu.memory_space<semaphore_mem>>)
      } else {
      }
      %add3A_192 = arith.constant 1 : i32
      %add3A_193 = arith.addi %mul3A_71, %add3A_192 : i32
      %jit3A_194 = arith.constant 3 : i32
      %div3A_195 = arith.divsi %add3A_193, %jit3A_194 : i32
      %sign3A_196 = arith.constant 0 : i32
      %sign3A_197 = arith.cmpi sgt, %add3A_193, %sign3A_196 : i32
      %sign3A_198 = arith.extui %sign3A_197 : i1 to i32
      %sign3A_199 = arith.constant 0 : i32
      %sign3A_200 = arith.cmpi slt, %add3A_193, %sign3A_199 : i32
      %sign3A_201 = arith.extui %sign3A_200 : i1 to i32
      %sign3A_202 = arith.subi %sign3A_198, %sign3A_201 : i32
      %sign3A_203 = arith.constant 0 : i32
      %sign3A_204 = arith.cmpi sgt, %jit3A_194, %sign3A_203 : i32
      %sign3A_205 = arith.extui %sign3A_204 : i1 to i32
      %sign3A_206 = arith.constant 0 : i32
      %sign3A_207 = arith.cmpi slt, %jit3A_194, %sign3A_206 : i32
      %sign3A_208 = arith.extui %sign3A_207 : i1 to i32
      %sign3A_209 = arith.subi %sign3A_205, %sign3A_208 : i32
      %ne3A_210 = arith.cmpi ne, %sign3A_202, %sign3A_209 : i32
      %rem3A_211 = arith.remsi %add3A_193, %jit3A_194 : i32
      %ne3A_212 = arith.constant 0 : i32
      %ne3A_213 = arith.cmpi ne, %rem3A_211, %ne3A_212 : i32
      %and3A_214 = arith.andi %ne3A_210, %ne3A_213 : i1
      %sub3A_215 = arith.constant 1 : i32
      %sub3A_216 = arith.subi %div3A_195, %sub3A_215 : i32
      %select_n3A_217 = arith.select %and3A_214, %sub3A_216, %div3A_195 : i32
      %mul3A_218 = arith.constant 8 : i32
      %mul3A_219 = arith.muli %select_n3A_217, %mul3A_218 : i32
      %add3A_220 = arith.addi %mul3A_32, %mul3A_219 : i32
      %jit3A_221 = arith.constant 3 : i32
      %eq3A_222 = arith.constant 0 : i32
      %eq3A_223 = arith.cmpi eq, %jit3A_221, %eq3A_222 : i32
      %jit3A_224 = arith.constant 1 : i32
      %select_n3A_225 = arith.select %eq3A_223, %jit3A_224, %jit3A_221 : i32
      %rem3A_226 = arith.remsi %add3A_193, %select_n3A_225 : i32
      %ne3A_227 = arith.constant 0 : i32
      %ne3A_228 = arith.cmpi ne, %rem3A_226, %ne3A_227 : i32
      %lt3A_229 = arith.constant 0 : i32
      %lt3A_230 = arith.cmpi slt, %rem3A_226, %lt3A_229 : i32
      %lt3A_231 = arith.constant 0 : i32
      %lt3A_232 = arith.cmpi slt, %select_n3A_225, %lt3A_231 : i32
      %ne3A_233 = arith.xori %lt3A_230, %lt3A_232 : i1
      %and3A_234 = arith.andi %ne3A_233, %ne3A_228 : i1
      %add3A_235 = arith.addi %rem3A_226, %select_n3A_225 : i32
      %select_n3A_236 = arith.select %and3A_234, %add3A_235, %rem3A_226 : i32
      %mul3A_237 = arith.constant 128 : i32
      %mul3A_238 = arith.muli %select_n3A_236, %mul3A_237 : i32
      %dma_wait3A_239 = arith.constant 0 : i32
      %dma_wait3A_240 = tpu.memref_slice %arg2[%select_n3A, %dma_wait3A_239, %add3A_220, %mul3A_238] : memref<4x19x384x384xf32, #tpu.memory_space<hbm>> -> memref<1x19x8x128xf32, #tpu.memory_space<hbm>>
      %dma_wait3A_241 = tpu.memref_squeeze %dma_wait3A_240 : memref<1x19x8x128xf32, #tpu.memory_space<hbm>> -> memref<19x8x128xf32, #tpu.memory_space<hbm>>
      %dma_wait3A_242 = arith.constant 0 : i32
      %dma_wait3A_243 = tpu.memref_slice %arg2[%select_n3A, %dma_wait3A_242, %add3A_220, %mul3A_238] : memref<4x19x384x384xf32, #tpu.memory_space<hbm>> -> memref<1x19x8x128xf32, #tpu.memory_space<hbm>>
      %dma_wait3A_244 = tpu.memref_squeeze %dma_wait3A_243 : memref<1x19x8x128xf32, #tpu.memory_space<hbm>> -> memref<19x8x128xf32, #tpu.memory_space<hbm>>
      tpu.wait_dma2 semaphore(%arg11 : memref<!tpu.dma_semaphore, #tpu.memory_space<semaphore_mem>>) src(%dma_wait3A_244 : memref<19x8x128xf32, #tpu.memory_space<hbm>>) dst(%arg6 : memref<19x8x128xf32, #tpu.memory_space<vmem>>)
      %dma_wait3A_245 = tpu.memref_slice %arg3[%select_n3A, %add3A_220, %mul3A_238] : memref<4x384x384xi32, #tpu.memory_space<hbm>> -> memref<1x8x128xi32, #tpu.memory_space<hbm>>
      %dma_wait3A_246 = tpu.memref_squeeze %dma_wait3A_245 : memref<1x8x128xi32, #tpu.memory_space<hbm>> -> memref<8x128xi32, #tpu.memory_space<hbm>>
      %dma_wait3A_247 = tpu.memref_slice %arg3[%select_n3A, %add3A_220, %mul3A_238] : memref<4x384x384xi32, #tpu.memory_space<hbm>> -> memref<1x8x128xi32, #tpu.memory_space<hbm>>
      %dma_wait3A_248 = tpu.memref_squeeze %dma_wait3A_247 : memref<1x8x128xi32, #tpu.memory_space<hbm>> -> memref<8x128xi32, #tpu.memory_space<hbm>>
      tpu.wait_dma2 semaphore(%arg13 : memref<!tpu.dma_semaphore, #tpu.memory_space<semaphore_mem>>) src(%dma_wait3A_248 : memref<8x128xi32, #tpu.memory_space<hbm>>) dst(%arg8 : memref<8x128xi32, #tpu.memory_space<vmem>>)
      %scan3A_249 = arith.constant 0 : i32
      %scan3A_250 = arith.constant 0 : i32
      %scan3A_251 = arith.constant 8 : i32
      %scan3A_252 = arith.addi %scan3A_250, %scan3A_251 : i32
      %scan3A_253 = arith.constant 1 : i32
      scf.for %scan3A_255 = %scan3A_250 to %scan3A_252 step %scan3A_253  : i32 {
        %scan3A_256 = arith.constant 0 : i32
        %scan3A_257 = arith.constant 0 : i32
        %scan3A_258 = arith.constant 8 : i32
        %scan3A_259 = arith.addi %scan3A_257, %scan3A_258 : i32
        %scan3A_260 = arith.constant 2 : i32
        scf.for %scan3A_262 = %scan3A_257 to %scan3A_259 step %scan3A_260  : i32 {
          %mul3A_263 = arith.constant 16 : i32
          %mul3A_264 = arith.muli %scan3A_262, %mul3A_263 : i32
          %get3A = arith.constant 0 : i32
          %get3A_265 = arith.index_cast %get3A : i32 to index
          %get3A_266 = arith.index_cast %scan3A_255 : i32 to index
          %get3A_267 = arith.index_cast %mul3A_264 : i32 to index
          %get3A_268 = tpu.vector_load %arg6[%get3A_265, %get3A_266, %get3A_267] {strides = array<i32>} : memref<19x8x128xf32, #tpu.memory_space<vmem>>, vector<16xf32>,
          %get3A_269 = arith.constant 1 : i32
          %get3A_270 = arith.index_cast %get3A_269 : i32 to index
          %get3A_271 = arith.index_cast %scan3A_255 : i32 to index
          %get3A_272 = arith.index_cast %mul3A_264 : i32 to index
          %get3A_273 = tpu.vector_load %arg6[%get3A_270, %get3A_271, %get3A_272] {strides = array<i32>} : memref<19x8x128xf32, #tpu.memory_space<vmem>>, vector<16xf32>,
          %get3A_274 = arith.constant 2 : i32
          %get3A_275 = arith.index_cast %get3A_274 : i32 to index
          %get3A_276 = arith.index_cast %scan3A_255 : i32 to index
          %get3A_277 = arith.index_cast %mul3A_264 : i32 to index
          %get3A_278 = tpu.vector_load %arg6[%get3A_275, %get3A_276, %get3A_277] {strides = array<i32>} : memref<19x8x128xf32, #tpu.memory_space<vmem>>, vector<16xf32>,
          %get3A_279 = arith.constant 3 : i32
          %get3A_280 = arith.index_cast %get3A_279 : i32 to index
          %get3A_281 = arith.index_cast %scan3A_255 : i32 to index
          %get3A_282 = arith.index_cast %mul3A_264 : i32 to index
          %get3A_283 = tpu.vector_load %arg6[%get3A_280, %get3A_281, %get3A_282] {strides = array<i32>} : memref<19x8x128xf32, #tpu.memory_space<vmem>>, vector<16xf32>,
          %get3A_284 = arith.constant 4 : i32
          %get3A_285 = arith.index_cast %get3A_284 : i32 to index
          %get3A_286 = arith.index_cast %scan3A_255 : i32 to index
          %get3A_287 = arith.index_cast %mul3A_264 : i32 to index
          %get3A_288 = tpu.vector_load %arg6[%get3A_285, %get3A_286, %get3A_287] {strides = array<i32>} : memref<19x8x128xf32, #tpu.memory_space<vmem>>, vector<16xf32>,
          %get3A_289 = arith.constant 5 : i32
          %get3A_290 = arith.index_cast %get3A_289 : i32 to index
          %get3A_291 = arith.index_cast %scan3A_255 : i32 to index
          %get3A_292 = arith.index_cast %mul3A_264 : i32 to index
          %get3A_293 = tpu.vector_load %arg6[%get3A_290, %get3A_291, %get3A_292] {strides = array<i32>} : memref<19x8x128xf32, #tpu.memory_space<vmem>>, vector<16xf32>,
          %get3A_294 = arith.constant 6 : i32
          %get3A_295 = arith.index_cast %get3A_294 : i32 to index
          %get3A_296 = arith.index_cast %scan3A_255 : i32 to index
          %get3A_297 = arith.index_cast %mul3A_264 : i32 to index
          %get3A_298 = tpu.vector_load %arg6[%get3A_295, %get3A_296, %get3A_297] {strides = array<i32>} : memref<19x8x128xf32, #tpu.memory_space<vmem>>, vector<16xf32>,
          %get3A_299 = arith.constant 7 : i32
          %get3A_300 = arith.index_cast %get3A_299 : i32 to index
          %get3A_301 = arith.index_cast %scan3A_255 : i32 to index
          %get3A_302 = arith.index_cast %mul3A_264 : i32 to index
          %get3A_303 = tpu.vector_load %arg6[%get3A_300, %get3A_301, %get3A_302] {strides = array<i32>} : memref<19x8x128xf32, #tpu.memory_space<vmem>>, vector<16xf32>,
          %get3A_304 = arith.constant 8 : i32
          %get3A_305 = arith.index_cast %get3A_304 : i32 to index
          %get3A_306 = arith.index_cast %scan3A_255 : i32 to index
          %get3A_307 = arith.index_cast %mul3A_264 : i32 to index
          %get3A_308 = tpu.vector_load %arg6[%get3A_305, %get3A_306, %get3A_307] {strides = array<i32>} : memref<19x8x128xf32, #tpu.memory_space<vmem>>, vector<16xf32>,
          %get3A_309 = arith.constant 9 : i32
          %get3A_310 = arith.index_cast %get3A_309 : i32 to index
          %get3A_311 = arith.index_cast %scan3A_255 : i32 to index
          %get3A_312 = arith.index_cast %mul3A_264 : i32 to index
          %get3A_313 = tpu.vector_load %arg6[%get3A_310, %get3A_311, %get3A_312] {strides = array<i32>} : memref<19x8x128xf32, #tpu.memory_space<vmem>>, vector<16xf32>,
          %get3A_314 = arith.constant 10 : i32
          %get3A_315 = arith.index_cast %get3A_314 : i32 to index
          %get3A_316 = arith.index_cast %scan3A_255 : i32 to index
          %get3A_317 = arith.index_cast %mul3A_264 : i32 to index
          %get3A_318 = tpu.vector_load %arg6[%get3A_315, %get3A_316, %get3A_317] {strides = array<i32>} : memref<19x8x128xf32, #tpu.memory_space<vmem>>, vector<16xf32>,
          %get3A_319 = arith.constant 11 : i32
          %get3A_320 = arith.index_cast %get3A_319 : i32 to index
          %get3A_321 = arith.index_cast %scan3A_255 : i32 to index
          %get3A_322 = arith.index_cast %mul3A_264 : i32 to index
          %get3A_323 = tpu.vector_load %arg6[%get3A_320, %get3A_321, %get3A_322] {strides = array<i32>} : memref<19x8x128xf32, #tpu.memory_space<vmem>>, vector<16xf32>,
          %get3A_324 = arith.constant 12 : i32
          %get3A_325 = arith.index_cast %get3A_324 : i32 to index
          %get3A_326 = arith.index_cast %scan3A_255 : i32 to index
          %get3A_327 = arith.index_cast %mul3A_264 : i32 to index
          %get3A_328 = tpu.vector_load %arg6[%get3A_325, %get3A_326, %get3A_327] {strides = array<i32>} : memref<19x8x128xf32, #tpu.memory_space<vmem>>, vector<16xf32>,
          %get3A_329 = arith.constant 13 : i32
          %get3A_330 = arith.index_cast %get3A_329 : i32 to index
          %get3A_331 = arith.index_cast %scan3A_255 : i32 to index
          %get3A_332 = arith.index_cast %mul3A_264 : i32 to index
          %get3A_333 = tpu.vector_load %arg6[%get3A_330, %get3A_331, %get3A_332] {strides = array<i32>} : memref<19x8x128xf32, #tpu.memory_space<vmem>>, vector<16xf32>,
          %get3A_334 = arith.constant 14 : i32
          %get3A_335 = arith.index_cast %get3A_334 : i32 to index
          %get3A_336 = arith.index_cast %scan3A_255 : i32 to index
          %get3A_337 = arith.index_cast %mul3A_264 : i32 to index
          %get3A_338 = tpu.vector_load %arg6[%get3A_335, %get3A_336, %get3A_337] {strides = array<i32>} : memref<19x8x128xf32, #tpu.memory_space<vmem>>, vector<16xf32>,
          %get3A_339 = arith.constant 15 : i32
          %get3A_340 = arith.index_cast %get3A_339 : i32 to index
          %get3A_341 = arith.index_cast %scan3A_255 : i32 to index
          %get3A_342 = arith.index_cast %mul3A_264 : i32 to index
          %get3A_343 = tpu.vector_load %arg6[%get3A_340, %get3A_341, %get3A_342] {strides = array<i32>} : memref<19x8x128xf32, #tpu.memory_space<vmem>>, vector<16xf32>,
          %get3A_344 = arith.constant 16 : i32
          %get3A_345 = arith.index_cast %get3A_344 : i32 to index
          %get3A_346 = arith.index_cast %scan3A_255 : i32 to index
          %get3A_347 = arith.index_cast %mul3A_264 : i32 to index
          %get3A_348 = tpu.vector_load %arg6[%get3A_345, %get3A_346, %get3A_347] {strides = array<i32>} : memref<19x8x128xf32, #tpu.memory_space<vmem>>, vector<16xf32>,
          %get3A_349 = arith.constant 17 : i32
          %get3A_350 = arith.index_cast %get3A_349 : i32 to index
          %get3A_351 = arith.index_cast %scan3A_255 : i32 to index
          %get3A_352 = arith.index_cast %mul3A_264 : i32 to index
          %get3A_353 = tpu.vector_load %arg6[%get3A_350, %get3A_351, %get3A_352] {strides = array<i32>} : memref<19x8x128xf32, #tpu.memory_space<vmem>>, vector<16xf32>,
          %get3A_354 = arith.constant 18 : i32
          %get3A_355 = arith.index_cast %get3A_354 : i32 to index
          %get3A_356 = arith.index_cast %scan3A_255 : i32 to index
          %get3A_357 = arith.index_cast %mul3A_264 : i32 to index
          %get3A_358 = tpu.vector_load %arg6[%get3A_355, %get3A_356, %get3A_357] {strides = array<i32>} : memref<19x8x128xf32, #tpu.memory_space<vmem>>, vector<16xf32>,
          %exp3A = math.exp %get3A_268 : vector<16xf32>
          %exp3A_359 = math.exp %get3A_273 : vector<16xf32>
          %exp3A_360 = math.exp %get3A_278 : vector<16xf32>
          %exp3A_361 = math.exp %get3A_283 : vector<16xf32>
          %exp3A_362 = math.exp %get3A_288 : vector<16xf32>
          %exp3A_363 = math.exp %get3A_293 : vector<16xf32>
          %exp3A_364 = math.exp %get3A_298 : vector<16xf32>
          %exp3A_365 = math.exp %get3A_303 : vector<16xf32>
          %exp3A_366 = math.exp %get3A_308 : vector<16xf32>
          %exp3A_367 = math.exp %get3A_313 : vector<16xf32>
          %exp3A_368 = math.exp %get3A_318 : vector<16xf32>
          %exp3A_369 = math.exp %get3A_323 : vector<16xf32>
          %exp3A_370 = math.exp %get3A_328 : vector<16xf32>
          %exp3A_371 = math.exp %get3A_333 : vector<16xf32>
          %exp3A_372 = math.exp %get3A_338 : vector<16xf32>
          %exp3A_373 = math.exp %get3A_343 : vector<16xf32>
          %exp3A_374 = math.exp %get3A_348 : vector<16xf32>
          %exp3A_375 = math.exp %get3A_353 : vector<16xf32>
          %exp3A_376 = math.exp %get3A_358 : vector<16xf32>
          %add3A_377 = arith.addf %exp3A, %exp3A_359 : vector<16xf32>
          %add3A_378 = arith.addf %exp3A_360, %exp3A_361 : vector<16xf32>
          %add3A_379 = arith.addf %exp3A_362, %exp3A_363 : vector<16xf32>
          %add3A_380 = arith.addf %exp3A_364, %exp3A_365 : vector<16xf32>
          %add3A_381 = arith.addf %exp3A_366, %exp3A_367 : vector<16xf32>
          %add3A_382 = arith.addf %exp3A_368, %exp3A_369 : vector<16xf32>
          %add3A_383 = arith.addf %exp3A_370, %exp3A_371 : vector<16xf32>
          %add3A_384 = arith.addf %exp3A_372, %exp3A_373 : vector<16xf32>
          %add3A_385 = arith.addf %exp3A_374, %exp3A_375 : vector<16xf32>
          %add3A_386 = arith.addf %add3A_377, %add3A_378 : vector<16xf32>
          %add3A_387 = arith.addf %add3A_379, %add3A_380 : vector<16xf32>
          %add3A_388 = arith.addf %add3A_381, %add3A_382 : vector<16xf32>
          %add3A_389 = arith.addf %add3A_383, %add3A_384 : vector<16xf32>
          %add3A_390 = arith.addf %add3A_385, %exp3A_376 : vector<16xf32>
          %add3A_391 = arith.addf %add3A_386, %add3A_387 : vector<16xf32>
          %add3A_392 = arith.addf %add3A_388, %add3A_389 : vector<16xf32>
          %add3A_393 = arith.addf %add3A_391, %add3A_392 : vector<16xf32>
          %add3A_394 = arith.addf %add3A_393, %add3A_390 : vector<16xf32>
          %div3A_395 = arith.constant 1.275000e+02 : f32
          %div3A_396 = vector.broadcast %div3A_395 : f32 to vector<16xf32>
          %div3A_397 = arith.divf %div3A_396, %add3A_394 : vector<16xf32>
          %get3A_398 = arith.index_cast %scan3A_255 : i32 to index
          %get3A_399 = arith.index_cast %mul3A_264 : i32 to index
          %get3A_400 = tpu.vector_load %arg8[%get3A_398, %get3A_399] {strides = array<i32>} : memref<8x128xi32, #tpu.memory_space<vmem>>, vector<16xi32>,
          %mul3A_401 = arith.mulf %exp3A, %div3A_397 : vector<16xf32>
          %add3A_402 = arith.constant 0.000000e+00 : f32
          %add3A_403 = vector.broadcast %add3A_402 : f32 to vector<16xf32>
          %add3A_404 = arith.addf %mul3A_401, %add3A_403 : vector<16xf32>
          %convert_element_type3A_405 = arith.fptosi %add3A_404 : vector<16xf32> to vector<16xi32>
          %add3A_406 = arith.addi %convert_element_type3A_405, %mul3A_41 : vector<16xi32>
          tpu.vector_store_idx %arg9[%add3A_406], %broadcast_in_dim3A_43 {add = true} : memref<77824xi32, #tpu.memory_space<vmem>>[vector<16xi32>], vector<16xi32>,
          %mul3A_407 = arith.mulf %exp3A_359, %div3A_397 : vector<16xf32>
          %add3A_408 = arith.constant 2.048000e+03 : f32
          %add3A_409 = vector.broadcast %add3A_408 : f32 to vector<16xf32>
          %add3A_410 = arith.addf %mul3A_407, %add3A_409 : vector<16xf32>
          %convert_element_type3A_411 = arith.fptosi %add3A_410 : vector<16xf32> to vector<16xi32>
          %add3A_412 = arith.addi %convert_element_type3A_411, %mul3A_41 : vector<16xi32>
          tpu.vector_store_idx %arg9[%add3A_412], %broadcast_in_dim3A_43 {add = true} : memref<77824xi32, #tpu.memory_space<vmem>>[vector<16xi32>], vector<16xi32>,
          %mul3A_413 = arith.mulf %exp3A_360, %div3A_397 : vector<16xf32>
          %add3A_414 = arith.constant 4.096000e+03 : f32
          %add3A_415 = vector.broadcast %add3A_414 : f32 to vector<16xf32>
          %add3A_416 = arith.addf %mul3A_413, %add3A_415 : vector<16xf32>
          %convert_element_type3A_417 = arith.fptosi %add3A_416 : vector<16xf32> to vector<16xi32>
          %add3A_418 = arith.addi %convert_element_type3A_417, %mul3A_41 : vector<16xi32>
          tpu.vector_store_idx %arg9[%add3A_418], %broadcast_in_dim3A_43 {add = true} : memref<77824xi32, #tpu.memory_space<vmem>>[vector<16xi32>], vector<16xi32>,
          %mul3A_419 = arith.mulf %exp3A_361, %div3A_397 : vector<16xf32>
          %add3A_420 = arith.constant 6.144000e+03 : f32
          %add3A_421 = vector.broadcast %add3A_420 : f32 to vector<16xf32>
          %add3A_422 = arith.addf %mul3A_419, %add3A_421 : vector<16xf32>
          %convert_element_type3A_423 = arith.fptosi %add3A_422 : vector<16xf32> to vector<16xi32>
          %add3A_424 = arith.addi %convert_element_type3A_423, %mul3A_41 : vector<16xi32>
          tpu.vector_store_idx %arg9[%add3A_424], %broadcast_in_dim3A_43 {add = true} : memref<77824xi32, #tpu.memory_space<vmem>>[vector<16xi32>], vector<16xi32>,
          %mul3A_425 = arith.mulf %exp3A_362, %div3A_397 : vector<16xf32>
          %add3A_426 = arith.constant 8.192000e+03 : f32
          %add3A_427 = vector.broadcast %add3A_426 : f32 to vector<16xf32>
          %add3A_428 = arith.addf %mul3A_425, %add3A_427 : vector<16xf32>
          %convert_element_type3A_429 = arith.fptosi %add3A_428 : vector<16xf32> to vector<16xi32>
          %add3A_430 = arith.addi %convert_element_type3A_429, %mul3A_41 : vector<16xi32>
          tpu.vector_store_idx %arg9[%add3A_430], %broadcast_in_dim3A_43 {add = true} : memref<77824xi32, #tpu.memory_space<vmem>>[vector<16xi32>], vector<16xi32>,
          %mul3A_431 = arith.mulf %exp3A_363, %div3A_397 : vector<16xf32>
          %add3A_432 = arith.constant 1.024000e+04 : f32
          %add3A_433 = vector.broadcast %add3A_432 : f32 to vector<16xf32>
          %add3A_434 = arith.addf %mul3A_431, %add3A_433 : vector<16xf32>
          %convert_element_type3A_435 = arith.fptosi %add3A_434 : vector<16xf32> to vector<16xi32>
          %add3A_436 = arith.addi %convert_element_type3A_435, %mul3A_41 : vector<16xi32>
          tpu.vector_store_idx %arg9[%add3A_436], %broadcast_in_dim3A_43 {add = true} : memref<77824xi32, #tpu.memory_space<vmem>>[vector<16xi32>], vector<16xi32>,
          %mul3A_437 = arith.mulf %exp3A_364, %div3A_397 : vector<16xf32>
          %add3A_438 = arith.constant 1.228800e+04 : f32
          %add3A_439 = vector.broadcast %add3A_438 : f32 to vector<16xf32>
          %add3A_440 = arith.addf %mul3A_437, %add3A_439 : vector<16xf32>
          %convert_element_type3A_441 = arith.fptosi %add3A_440 : vector<16xf32> to vector<16xi32>
          %add3A_442 = arith.addi %convert_element_type3A_441, %mul3A_41 : vector<16xi32>
          tpu.vector_store_idx %arg9[%add3A_442], %broadcast_in_dim3A_43 {add = true} : memref<77824xi32, #tpu.memory_space<vmem>>[vector<16xi32>], vector<16xi32>,
          %mul3A_443 = arith.mulf %exp3A_365, %div3A_397 : vector<16xf32>
          %add3A_444 = arith.constant 1.433600e+04 : f32
          %add3A_445 = vector.broadcast %add3A_444 : f32 to vector<16xf32>
          %add3A_446 = arith.addf %mul3A_443, %add3A_445 : vector<16xf32>
          %convert_element_type3A_447 = arith.fptosi %add3A_446 : vector<16xf32> to vector<16xi32>
          %add3A_448 = arith.addi %convert_element_type3A_447, %mul3A_41 : vector<16xi32>
          tpu.vector_store_idx %arg9[%add3A_448], %broadcast_in_dim3A_43 {add = true} : memref<77824xi32, #tpu.memory_space<vmem>>[vector<16xi32>], vector<16xi32>,
          %mul3A_449 = arith.mulf %exp3A_366, %div3A_397 : vector<16xf32>
          %add3A_450 = arith.constant 1.638400e+04 : f32
          %add3A_451 = vector.broadcast %add3A_450 : f32 to vector<16xf32>
          %add3A_452 = arith.addf %mul3A_449, %add3A_451 : vector<16xf32>
          %convert_element_type3A_453 = arith.fptosi %add3A_452 : vector<16xf32> to vector<16xi32>
          %add3A_454 = arith.addi %convert_element_type3A_453, %mul3A_41 : vector<16xi32>
          tpu.vector_store_idx %arg9[%add3A_454], %broadcast_in_dim3A_43 {add = true} : memref<77824xi32, #tpu.memory_space<vmem>>[vector<16xi32>], vector<16xi32>,
          %mul3A_455 = arith.mulf %exp3A_367, %div3A_397 : vector<16xf32>
          %add3A_456 = arith.constant 1.843200e+04 : f32
          %add3A_457 = vector.broadcast %add3A_456 : f32 to vector<16xf32>
          %add3A_458 = arith.addf %mul3A_455, %add3A_457 : vector<16xf32>
          %convert_element_type3A_459 = arith.fptosi %add3A_458 : vector<16xf32> to vector<16xi32>
          %add3A_460 = arith.addi %convert_element_type3A_459, %mul3A_41 : vector<16xi32>
          tpu.vector_store_idx %arg9[%add3A_460], %broadcast_in_dim3A_43 {add = true} : memref<77824xi32, #tpu.memory_space<vmem>>[vector<16xi32>], vector<16xi32>,
          %mul3A_461 = arith.mulf %exp3A_368, %div3A_397 : vector<16xf32>
          %add3A_462 = arith.constant 2.048000e+04 : f32
          %add3A_463 = vector.broadcast %add3A_462 : f32 to vector<16xf32>
          %add3A_464 = arith.addf %mul3A_461, %add3A_463 : vector<16xf32>
          %convert_element_type3A_465 = arith.fptosi %add3A_464 : vector<16xf32> to vector<16xi32>
          %add3A_466 = arith.addi %convert_element_type3A_465, %mul3A_41 : vector<16xi32>
          tpu.vector_store_idx %arg9[%add3A_466], %broadcast_in_dim3A_43 {add = true} : memref<77824xi32, #tpu.memory_space<vmem>>[vector<16xi32>], vector<16xi32>,
          %mul3A_467 = arith.mulf %exp3A_369, %div3A_397 : vector<16xf32>
          %add3A_468 = arith.constant 2.252800e+04 : f32
          %add3A_469 = vector.broadcast %add3A_468 : f32 to vector<16xf32>
          %add3A_470 = arith.addf %mul3A_467, %add3A_469 : vector<16xf32>
          %convert_element_type3A_471 = arith.fptosi %add3A_470 : vector<16xf32> to vector<16xi32>
          %add3A_472 = arith.addi %convert_element_type3A_471, %mul3A_41 : vector<16xi32>
          tpu.vector_store_idx %arg9[%add3A_472], %broadcast_in_dim3A_43 {add = true} : memref<77824xi32, #tpu.memory_space<vmem>>[vector<16xi32>], vector<16xi32>,
          %mul3A_473 = arith.mulf %exp3A_370, %div3A_397 : vector<16xf32>
          %add3A_474 = arith.constant 2.457600e+04 : f32
          %add3A_475 = vector.broadcast %add3A_474 : f32 to vector<16xf32>
          %add3A_476 = arith.addf %mul3A_473, %add3A_475 : vector<16xf32>
          %convert_element_type3A_477 = arith.fptosi %add3A_476 : vector<16xf32> to vector<16xi32>
          %add3A_478 = arith.addi %convert_element_type3A_477, %mul3A_41 : vector<16xi32>
          tpu.vector_store_idx %arg9[%add3A_478], %broadcast_in_dim3A_43 {add = true} : memref<77824xi32, #tpu.memory_space<vmem>>[vector<16xi32>], vector<16xi32>,
          %mul3A_479 = arith.mulf %exp3A_371, %div3A_397 : vector<16xf32>
          %add3A_480 = arith.constant 2.662400e+04 : f32
          %add3A_481 = vector.broadcast %add3A_480 : f32 to vector<16xf32>
          %add3A_482 = arith.addf %mul3A_479, %add3A_481 : vector<16xf32>
          %convert_element_type3A_483 = arith.fptosi %add3A_482 : vector<16xf32> to vector<16xi32>
          %add3A_484 = arith.addi %convert_element_type3A_483, %mul3A_41 : vector<16xi32>
          tpu.vector_store_idx %arg9[%add3A_484], %broadcast_in_dim3A_43 {add = true} : memref<77824xi32, #tpu.memory_space<vmem>>[vector<16xi32>], vector<16xi32>,
          %mul3A_485 = arith.mulf %exp3A_372, %div3A_397 : vector<16xf32>
          %add3A_486 = arith.constant 2.867200e+04 : f32
          %add3A_487 = vector.broadcast %add3A_486 : f32 to vector<16xf32>
          %add3A_488 = arith.addf %mul3A_485, %add3A_487 : vector<16xf32>
          %convert_element_type3A_489 = arith.fptosi %add3A_488 : vector<16xf32> to vector<16xi32>
          %add3A_490 = arith.addi %convert_element_type3A_489, %mul3A_41 : vector<16xi32>
          tpu.vector_store_idx %arg9[%add3A_490], %broadcast_in_dim3A_43 {add = true} : memref<77824xi32, #tpu.memory_space<vmem>>[vector<16xi32>], vector<16xi32>,
          %mul3A_491 = arith.mulf %exp3A_373, %div3A_397 : vector<16xf32>
          %add3A_492 = arith.constant 3.072000e+04 : f32
          %add3A_493 = vector.broadcast %add3A_492 : f32 to vector<16xf32>
          %add3A_494 = arith.addf %mul3A_491, %add3A_493 : vector<16xf32>
          %convert_element_type3A_495 = arith.fptosi %add3A_494 : vector<16xf32> to vector<16xi32>
          %add3A_496 = arith.addi %convert_element_type3A_495, %mul3A_41 : vector<16xi32>
          tpu.vector_store_idx %arg9[%add3A_496], %broadcast_in_dim3A_43 {add = true} : memref<77824xi32, #tpu.memory_space<vmem>>[vector<16xi32>], vector<16xi32>,
          %mul3A_497 = arith.mulf %exp3A_374, %div3A_397 : vector<16xf32>
          %add3A_498 = arith.constant 3.276800e+04 : f32
          %add3A_499 = vector.broadcast %add3A_498 : f32 to vector<16xf32>
          %add3A_500 = arith.addf %mul3A_497, %add3A_499 : vector<16xf32>
          %convert_element_type3A_501 = arith.fptosi %add3A_500 : vector<16xf32> to vector<16xi32>
          %add3A_502 = arith.addi %convert_element_type3A_501, %mul3A_41 : vector<16xi32>
          tpu.vector_store_idx %arg9[%add3A_502], %broadcast_in_dim3A_43 {add = true} : memref<77824xi32, #tpu.memory_space<vmem>>[vector<16xi32>], vector<16xi32>,
          %mul3A_503 = arith.mulf %exp3A_375, %div3A_397 : vector<16xf32>
          %add3A_504 = arith.constant 3.481600e+04 : f32
          %add3A_505 = vector.broadcast %add3A_504 : f32 to vector<16xf32>
          %add3A_506 = arith.addf %mul3A_503, %add3A_505 : vector<16xf32>
          %convert_element_type3A_507 = arith.fptosi %add3A_506 : vector<16xf32> to vector<16xi32>
          %add3A_508 = arith.addi %convert_element_type3A_507, %mul3A_41 : vector<16xi32>
          tpu.vector_store_idx %arg9[%add3A_508], %broadcast_in_dim3A_43 {add = true} : memref<77824xi32, #tpu.memory_space<vmem>>[vector<16xi32>], vector<16xi32>,
          %mul3A_509 = arith.mulf %exp3A_376, %div3A_397 : vector<16xf32>
          %add3A_510 = arith.constant 3.686400e+04 : f32
          %add3A_511 = vector.broadcast %add3A_510 : f32 to vector<16xf32>
          %add3A_512 = arith.addf %mul3A_509, %add3A_511 : vector<16xf32>
          %convert_element_type3A_513 = arith.fptosi %add3A_512 : vector<16xf32> to vector<16xi32>
          %add3A_514 = arith.addi %convert_element_type3A_513, %mul3A_41 : vector<16xi32>
          tpu.vector_store_idx %arg9[%add3A_514], %broadcast_in_dim3A_43 {add = true} : memref<77824xi32, #tpu.memory_space<vmem>>[vector<16xi32>], vector<16xi32>,
          %broadcast_in_dim3A_515 = vector.broadcast %scan3A_255 : i32 to vector<16xi32>
          %add3A_516 = vector.broadcast %mul3A_264 : i32 to vector<16xi32>
          %add3A_517 = arith.addi %add3A_516, %iota3A : vector<16xi32>
          %gather3A = tpu.vector_load_idx %arg6[%get3A_400, %broadcast_in_dim3A_515, %add3A_517] : memref<19x8x128xf32, #tpu.memory_space<vmem>>[vector<16xi32>, vector<16xi32>, vector<16xi32>], vector<16xf32>,
          %exp3A_518 = math.exp %gather3A : vector<16xf32>
          %mul3A_519 = arith.mulf %exp3A_518, %div3A_397 : vector<16xf32>
          %mul3A_520 = arith.constant 2048 : i32
          %mul3A_521 = vector.broadcast %mul3A_520 : i32 to vector<16xi32>
          %mul3A_522 = arith.muli %get3A_400, %mul3A_521 : vector<16xi32>
          %add3A_523 = arith.addi %mul3A_522, %mul3A_41 : vector<16xi32>
          %sub3A_524 = arith.constant 1.275000e+02 : f32
          %sub3A_525 = vector.broadcast %sub3A_524 : f32 to vector<16xf32>
          %sub3A_526 = arith.subf %sub3A_525, %mul3A_519 : vector<16xf32>
          %max3A = arith.constant 0.000000e+00 : f32
          %max3A_527 = vector.broadcast %max3A : f32 to vector<16xf32>
          %max3A_528 = arith.maximumf %sub3A_526, %max3A_527 : vector<16xf32>
          %add3A_529 = arith.constant 3.891200e+04 : f32
          %add3A_530 = vector.broadcast %add3A_529 : f32 to vector<16xf32>
          %add3A_531 = arith.addf %max3A_528, %add3A_530 : vector<16xf32>
          %convert_element_type3A_532 = arith.fptosi %add3A_531 : vector<16xf32> to vector<16xi32>
          %add3A_533 = arith.addi %convert_element_type3A_532, %add3A_523 : vector<16xi32>
          tpu.vector_store_idx %arg9[%add3A_533], %broadcast_in_dim3A_43 {add = true} : memref<77824xi32, #tpu.memory_space<vmem>>[vector<16xi32>], vector<16xi32>,
          %convert_element_type3A_534 = arith.fptosi %mul3A_519 : vector<16xf32> to vector<16xi32>
          %add3A_535 = arith.addi %convert_element_type3A_534, %add3A_523 : vector<16xi32>
          tpu.vector_store_idx %arg9[%add3A_535], %broadcast_in_dim3A_45 {add = true} : memref<77824xi32, #tpu.memory_space<vmem>>[vector<16xi32>], vector<16xi32>,
          %scan3A_536 = arith.constant 1 : i32
          %scan3A_537 = arith.addi %scan3A_262, %scan3A_536 : i32
          %mul3A_538 = arith.constant 16 : i32
          %mul3A_539 = arith.muli %scan3A_537, %mul3A_538 : i32
          %get3A_540 = arith.constant 0 : i32
          %get3A_541 = arith.index_cast %get3A_540 : i32 to index
          %get3A_542 = arith.index_cast %scan3A_255 : i32 to index
          %get3A_543 = arith.index_cast %mul3A_539 : i32 to index
          %get3A_544 = tpu.vector_load %arg6[%get3A_541, %get3A_542, %get3A_543] {strides = array<i32>} : memref<19x8x128xf32, #tpu.memory_space<vmem>>, vector<16xf32>,
          %get3A_545 = arith.constant 1 : i32
          %get3A_546 = arith.index_cast %get3A_545 : i32 to index
          %get3A_547 = arith.index_cast %scan3A_255 : i32 to index
          %get3A_548 = arith.index_cast %mul3A_539 : i32 to index
          %get3A_549 = tpu.vector_load %arg6[%get3A_546, %get3A_547, %get3A_548] {strides = array<i32>} : memref<19x8x128xf32, #tpu.memory_space<vmem>>, vector<16xf32>,
          %get3A_550 = arith.constant 2 : i32
          %get3A_551 = arith.index_cast %get3A_550 : i32 to index
          %get3A_552 = arith.index_cast %scan3A_255 : i32 to index
          %get3A_553 = arith.index_cast %mul3A_539 : i32 to index
          %get3A_554 = tpu.vector_load %arg6[%get3A_551, %get3A_552, %get3A_553] {strides = array<i32>} : memref<19x8x128xf32, #tpu.memory_space<vmem>>, vector<16xf32>,
          %get3A_555 = arith.constant 3 : i32
          %get3A_556 = arith.index_cast %get3A_555 : i32 to index
          %get3A_557 = arith.index_cast %scan3A_255 : i32 to index
          %get3A_558 = arith.index_cast %mul3A_539 : i32 to index
          %get3A_559 = tpu.vector_load %arg6[%get3A_556, %get3A_557, %get3A_558] {strides = array<i32>} : memref<19x8x128xf32, #tpu.memory_space<vmem>>, vector<16xf32>,
          %get3A_560 = arith.constant 4 : i32
          %get3A_561 = arith.index_cast %get3A_560 : i32 to index
          %get3A_562 = arith.index_cast %scan3A_255 : i32 to index
          %get3A_563 = arith.index_cast %mul3A_539 : i32 to index
          %get3A_564 = tpu.vector_load %arg6[%get3A_561, %get3A_562, %get3A_563] {strides = array<i32>} : memref<19x8x128xf32, #tpu.memory_space<vmem>>, vector<16xf32>,
          %get3A_565 = arith.constant 5 : i32
          %get3A_566 = arith.index_cast %get3A_565 : i32 to index
          %get3A_567 = arith.index_cast %scan3A_255 : i32 to index
          %get3A_568 = arith.index_cast %mul3A_539 : i32 to index
          %get3A_569 = tpu.vector_load %arg6[%get3A_566, %get3A_567, %get3A_568] {strides = array<i32>} : memref<19x8x128xf32, #tpu.memory_space<vmem>>, vector<16xf32>,
          %get3A_570 = arith.constant 6 : i32
          %get3A_571 = arith.index_cast %get3A_570 : i32 to index
          %get3A_572 = arith.index_cast %scan3A_255 : i32 to index
          %get3A_573 = arith.index_cast %mul3A_539 : i32 to index
          %get3A_574 = tpu.vector_load %arg6[%get3A_571, %get3A_572, %get3A_573] {strides = array<i32>} : memref<19x8x128xf32, #tpu.memory_space<vmem>>, vector<16xf32>,
          %get3A_575 = arith.constant 7 : i32
          %get3A_576 = arith.index_cast %get3A_575 : i32 to index
          %get3A_577 = arith.index_cast %scan3A_255 : i32 to index
          %get3A_578 = arith.index_cast %mul3A_539 : i32 to index
          %get3A_579 = tpu.vector_load %arg6[%get3A_576, %get3A_577, %get3A_578] {strides = array<i32>} : memref<19x8x128xf32, #tpu.memory_space<vmem>>, vector<16xf32>,
          %get3A_580 = arith.constant 8 : i32
          %get3A_581 = arith.index_cast %get3A_580 : i32 to index
          %get3A_582 = arith.index_cast %scan3A_255 : i32 to index
          %get3A_583 = arith.index_cast %mul3A_539 : i32 to index
          %get3A_584 = tpu.vector_load %arg6[%get3A_581, %get3A_582, %get3A_583] {strides = array<i32>} : memref<19x8x128xf32, #tpu.memory_space<vmem>>, vector<16xf32>,
          %get3A_585 = arith.constant 9 : i32
          %get3A_586 = arith.index_cast %get3A_585 : i32 to index
          %get3A_587 = arith.index_cast %scan3A_255 : i32 to index
          %get3A_588 = arith.index_cast %mul3A_539 : i32 to index
          %get3A_589 = tpu.vector_load %arg6[%get3A_586, %get3A_587, %get3A_588] {strides = array<i32>} : memref<19x8x128xf32, #tpu.memory_space<vmem>>, vector<16xf32>,
          %get3A_590 = arith.constant 10 : i32
          %get3A_591 = arith.index_cast %get3A_590 : i32 to index
          %get3A_592 = arith.index_cast %scan3A_255 : i32 to index
          %get3A_593 = arith.index_cast %mul3A_539 : i32 to index
          %get3A_594 = tpu.vector_load %arg6[%get3A_591, %get3A_592, %get3A_593] {strides = array<i32>} : memref<19x8x128xf32, #tpu.memory_space<vmem>>, vector<16xf32>,
          %get3A_595 = arith.constant 11 : i32
          %get3A_596 = arith.index_cast %get3A_595 : i32 to index
          %get3A_597 = arith.index_cast %scan3A_255 : i32 to index
          %get3A_598 = arith.index_cast %mul3A_539 : i32 to index
          %get3A_599 = tpu.vector_load %arg6[%get3A_596, %get3A_597, %get3A_598] {strides = array<i32>} : memref<19x8x128xf32, #tpu.memory_space<vmem>>, vector<16xf32>,
          %get3A_600 = arith.constant 12 : i32
          %get3A_601 = arith.index_cast %get3A_600 : i32 to index
          %get3A_602 = arith.index_cast %scan3A_255 : i32 to index
          %get3A_603 = arith.index_cast %mul3A_539 : i32 to index
          %get3A_604 = tpu.vector_load %arg6[%get3A_601, %get3A_602, %get3A_603] {strides = array<i32>} : memref<19x8x128xf32, #tpu.memory_space<vmem>>, vector<16xf32>,
          %get3A_605 = arith.constant 13 : i32
          %get3A_606 = arith.index_cast %get3A_605 : i32 to index
          %get3A_607 = arith.index_cast %scan3A_255 : i32 to index
          %get3A_608 = arith.index_cast %mul3A_539 : i32 to index
          %get3A_609 = tpu.vector_load %arg6[%get3A_606, %get3A_607, %get3A_608] {strides = array<i32>} : memref<19x8x128xf32, #tpu.memory_space<vmem>>, vector<16xf32>,
          %get3A_610 = arith.constant 14 : i32
          %get3A_611 = arith.index_cast %get3A_610 : i32 to index
          %get3A_612 = arith.index_cast %scan3A_255 : i32 to index
          %get3A_613 = arith.index_cast %mul3A_539 : i32 to index
          %get3A_614 = tpu.vector_load %arg6[%get3A_611, %get3A_612, %get3A_613] {strides = array<i32>} : memref<19x8x128xf32, #tpu.memory_space<vmem>>, vector<16xf32>,
          %get3A_615 = arith.constant 15 : i32
          %get3A_616 = arith.index_cast %get3A_615 : i32 to index
          %get3A_617 = arith.index_cast %scan3A_255 : i32 to index
          %get3A_618 = arith.index_cast %mul3A_539 : i32 to index
          %get3A_619 = tpu.vector_load %arg6[%get3A_616, %get3A_617, %get3A_618] {strides = array<i32>} : memref<19x8x128xf32, #tpu.memory_space<vmem>>, vector<16xf32>,
          %get3A_620 = arith.constant 16 : i32
          %get3A_621 = arith.index_cast %get3A_620 : i32 to index
          %get3A_622 = arith.index_cast %scan3A_255 : i32 to index
          %get3A_623 = arith.index_cast %mul3A_539 : i32 to index
          %get3A_624 = tpu.vector_load %arg6[%get3A_621, %get3A_622, %get3A_623] {strides = array<i32>} : memref<19x8x128xf32, #tpu.memory_space<vmem>>, vector<16xf32>,
          %get3A_625 = arith.constant 17 : i32
          %get3A_626 = arith.index_cast %get3A_625 : i32 to index
          %get3A_627 = arith.index_cast %scan3A_255 : i32 to index
          %get3A_628 = arith.index_cast %mul3A_539 : i32 to index
          %get3A_629 = tpu.vector_load %arg6[%get3A_626, %get3A_627, %get3A_628] {strides = array<i32>} : memref<19x8x128xf32, #tpu.memory_space<vmem>>, vector<16xf32>,
          %get3A_630 = arith.constant 18 : i32
          %get3A_631 = arith.index_cast %get3A_630 : i32 to index
          %get3A_632 = arith.index_cast %scan3A_255 : i32 to index
          %get3A_633 = arith.index_cast %mul3A_539 : i32 to index
          %get3A_634 = tpu.vector_load %arg6[%get3A_631, %get3A_632, %get3A_633] {strides = array<i32>} : memref<19x8x128xf32, #tpu.memory_space<vmem>>, vector<16xf32>,
          %exp3A_635 = math.exp %get3A_544 : vector<16xf32>
          %exp3A_636 = math.exp %get3A_549 : vector<16xf32>
          %exp3A_637 = math.exp %get3A_554 : vector<16xf32>
          %exp3A_638 = math.exp %get3A_559 : vector<16xf32>
          %exp3A_639 = math.exp %get3A_564 : vector<16xf32>
          %exp3A_640 = math.exp %get3A_569 : vector<16xf32>
          %exp3A_641 = math.exp %get3A_574 : vector<16xf32>
          %exp3A_642 = math.exp %get3A_579 : vector<16xf32>
          %exp3A_643 = math.exp %get3A_584 : vector<16xf32>
          %exp3A_644 = math.exp %get3A_589 : vector<16xf32>
          %exp3A_645 = math.exp %get3A_594 : vector<16xf32>
          %exp3A_646 = math.exp %get3A_599 : vector<16xf32>
          %exp3A_647 = math.exp %get3A_604 : vector<16xf32>
          %exp3A_648 = math.exp %get3A_609 : vector<16xf32>
          %exp3A_649 = math.exp %get3A_614 : vector<16xf32>
          %exp3A_650 = math.exp %get3A_619 : vector<16xf32>
          %exp3A_651 = math.exp %get3A_624 : vector<16xf32>
          %exp3A_652 = math.exp %get3A_629 : vector<16xf32>
          %exp3A_653 = math.exp %get3A_634 : vector<16xf32>
          %add3A_654 = arith.addf %exp3A_635, %exp3A_636 : vector<16xf32>
          %add3A_655 = arith.addf %exp3A_637, %exp3A_638 : vector<16xf32>
          %add3A_656 = arith.addf %exp3A_639, %exp3A_640 : vector<16xf32>
          %add3A_657 = arith.addf %exp3A_641, %exp3A_642 : vector<16xf32>
          %add3A_658 = arith.addf %exp3A_643, %exp3A_644 : vector<16xf32>
          %add3A_659 = arith.addf %exp3A_645, %exp3A_646 : vector<16xf32>
          %add3A_660 = arith.addf %exp3A_647, %exp3A_648 : vector<16xf32>
          %add3A_661 = arith.addf %exp3A_649, %exp3A_650 : vector<16xf32>
          %add3A_662 = arith.addf %exp3A_651, %exp3A_652 : vector<16xf32>
          %add3A_663 = arith.addf %add3A_654, %add3A_655 : vector<16xf32>
          %add3A_664 = arith.addf %add3A_656, %add3A_657 : vector<16xf32>
          %add3A_665 = arith.addf %add3A_658, %add3A_659 : vector<16xf32>
          %add3A_666 = arith.addf %add3A_660, %add3A_661 : vector<16xf32>
          %add3A_667 = arith.addf %add3A_662, %exp3A_653 : vector<16xf32>
          %add3A_668 = arith.addf %add3A_663, %add3A_664 : vector<16xf32>
          %add3A_669 = arith.addf %add3A_665, %add3A_666 : vector<16xf32>
          %add3A_670 = arith.addf %add3A_668, %add3A_669 : vector<16xf32>
          %add3A_671 = arith.addf %add3A_670, %add3A_667 : vector<16xf32>
          %div3A_672 = arith.constant 1.275000e+02 : f32
          %div3A_673 = vector.broadcast %div3A_672 : f32 to vector<16xf32>
          %div3A_674 = arith.divf %div3A_673, %add3A_671 : vector<16xf32>
          %get3A_675 = arith.index_cast %scan3A_255 : i32 to index
          %get3A_676 = arith.index_cast %mul3A_539 : i32 to index
          %get3A_677 = tpu.vector_load %arg8[%get3A_675, %get3A_676] {strides = array<i32>} : memref<8x128xi32, #tpu.memory_space<vmem>>, vector<16xi32>,
          %mul3A_678 = arith.mulf %exp3A_635, %div3A_674 : vector<16xf32>
          %add3A_679 = arith.constant 0.000000e+00 : f32
          %add3A_680 = vector.broadcast %add3A_679 : f32 to vector<16xf32>
          %add3A_681 = arith.addf %mul3A_678, %add3A_680 : vector<16xf32>
          %convert_element_type3A_682 = arith.fptosi %add3A_681 : vector<16xf32> to vector<16xi32>
          %add3A_683 = arith.addi %convert_element_type3A_682, %mul3A_41 : vector<16xi32>
          tpu.vector_store_idx %arg9[%add3A_683], %broadcast_in_dim3A_43 {add = true} : memref<77824xi32, #tpu.memory_space<vmem>>[vector<16xi32>], vector<16xi32>,
          %mul3A_684 = arith.mulf %exp3A_636, %div3A_674 : vector<16xf32>
          %add3A_685 = arith.constant 2.048000e+03 : f32
          %add3A_686 = vector.broadcast %add3A_685 : f32 to vector<16xf32>
          %add3A_687 = arith.addf %mul3A_684, %add3A_686 : vector<16xf32>
          %convert_element_type3A_688 = arith.fptosi %add3A_687 : vector<16xf32> to vector<16xi32>
          %add3A_689 = arith.addi %convert_element_type3A_688, %mul3A_41 : vector<16xi32>
          tpu.vector_store_idx %arg9[%add3A_689], %broadcast_in_dim3A_43 {add = true} : memref<77824xi32, #tpu.memory_space<vmem>>[vector<16xi32>], vector<16xi32>,
          %mul3A_690 = arith.mulf %exp3A_637, %div3A_674 : vector<16xf32>
          %add3A_691 = arith.constant 4.096000e+03 : f32
          %add3A_692 = vector.broadcast %add3A_691 : f32 to vector<16xf32>
          %add3A_693 = arith.addf %mul3A_690, %add3A_692 : vector<16xf32>
          %convert_element_type3A_694 = arith.fptosi %add3A_693 : vector<16xf32> to vector<16xi32>
          %add3A_695 = arith.addi %convert_element_type3A_694, %mul3A_41 : vector<16xi32>
          tpu.vector_store_idx %arg9[%add3A_695], %broadcast_in_dim3A_43 {add = true} : memref<77824xi32, #tpu.memory_space<vmem>>[vector<16xi32>], vector<16xi32>,
          %mul3A_696 = arith.mulf %exp3A_638, %div3A_674 : vector<16xf32>
          %add3A_697 = arith.constant 6.144000e+03 : f32
          %add3A_698 = vector.broadcast %add3A_697 : f32 to vector<16xf32>
          %add3A_699 = arith.addf %mul3A_696, %add3A_698 : vector<16xf32>
          %convert_element_type3A_700 = arith.fptosi %add3A_699 : vector<16xf32> to vector<16xi32>
          %add3A_701 = arith.addi %convert_element_type3A_700, %mul3A_41 : vector<16xi32>
          tpu.vector_store_idx %arg9[%add3A_701], %broadcast_in_dim3A_43 {add = true} : memref<77824xi32, #tpu.memory_space<vmem>>[vector<16xi32>], vector<16xi32>,
          %mul3A_702 = arith.mulf %exp3A_639, %div3A_674 : vector<16xf32>
          %add3A_703 = arith.constant 8.192000e+03 : f32
          %add3A_704 = vector.broadcast %add3A_703 : f32 to vector<16xf32>
          %add3A_705 = arith.addf %mul3A_702, %add3A_704 : vector<16xf32>
          %convert_element_type3A_706 = arith.fptosi %add3A_705 : vector<16xf32> to vector<16xi32>
          %add3A_707 = arith.addi %convert_element_type3A_706, %mul3A_41 : vector<16xi32>
          tpu.vector_store_idx %arg9[%add3A_707], %broadcast_in_dim3A_43 {add = true} : memref<77824xi32, #tpu.memory_space<vmem>>[vector<16xi32>], vector<16xi32>,
          %mul3A_708 = arith.mulf %exp3A_640, %div3A_674 : vector<16xf32>
          %add3A_709 = arith.constant 1.024000e+04 : f32
          %add3A_710 = vector.broadcast %add3A_709 : f32 to vector<16xf32>
          %add3A_711 = arith.addf %mul3A_708, %add3A_710 : vector<16xf32>
          %convert_element_type3A_712 = arith.fptosi %add3A_711 : vector<16xf32> to vector<16xi32>
          %add3A_713 = arith.addi %convert_element_type3A_712, %mul3A_41 : vector<16xi32>
          tpu.vector_store_idx %arg9[%add3A_713], %broadcast_in_dim3A_43 {add = true} : memref<77824xi32, #tpu.memory_space<vmem>>[vector<16xi32>], vector<16xi32>,
          %mul3A_714 = arith.mulf %exp3A_641, %div3A_674 : vector<16xf32>
          %add3A_715 = arith.constant 1.228800e+04 : f32
          %add3A_716 = vector.broadcast %add3A_715 : f32 to vector<16xf32>
          %add3A_717 = arith.addf %mul3A_714, %add3A_716 : vector<16xf32>
          %convert_element_type3A_718 = arith.fptosi %add3A_717 : vector<16xf32> to vector<16xi32>
          %add3A_719 = arith.addi %convert_element_type3A_718, %mul3A_41 : vector<16xi32>
          tpu.vector_store_idx %arg9[%add3A_719], %broadcast_in_dim3A_43 {add = true} : memref<77824xi32, #tpu.memory_space<vmem>>[vector<16xi32>], vector<16xi32>,
          %mul3A_720 = arith.mulf %exp3A_642, %div3A_674 : vector<16xf32>
          %add3A_721 = arith.constant 1.433600e+04 : f32
          %add3A_722 = vector.broadcast %add3A_721 : f32 to vector<16xf32>
          %add3A_723 = arith.addf %mul3A_720, %add3A_722 : vector<16xf32>
          %convert_element_type3A_724 = arith.fptosi %add3A_723 : vector<16xf32> to vector<16xi32>
          %add3A_725 = arith.addi %convert_element_type3A_724, %mul3A_41 : vector<16xi32>
          tpu.vector_store_idx %arg9[%add3A_725], %broadcast_in_dim3A_43 {add = true} : memref<77824xi32, #tpu.memory_space<vmem>>[vector<16xi32>], vector<16xi32>,
          %mul3A_726 = arith.mulf %exp3A_643, %div3A_674 : vector<16xf32>
          %add3A_727 = arith.constant 1.638400e+04 : f32
          %add3A_728 = vector.broadcast %add3A_727 : f32 to vector<16xf32>
          %add3A_729 = arith.addf %mul3A_726, %add3A_728 : vector<16xf32>
          %convert_element_type3A_730 = arith.fptosi %add3A_729 : vector<16xf32> to vector<16xi32>
          %add3A_731 = arith.addi %convert_element_type3A_730, %mul3A_41 : vector<16xi32>
          tpu.vector_store_idx %arg9[%add3A_731], %broadcast_in_dim3A_43 {add = true} : memref<77824xi32, #tpu.memory_space<vmem>>[vector<16xi32>], vector<16xi32>,
          %mul3A_732 = arith.mulf %exp3A_644, %div3A_674 : vector<16xf32>
          %add3A_733 = arith.constant 1.843200e+04 : f32
          %add3A_734 = vector.broadcast %add3A_733 : f32 to vector<16xf32>
          %add3A_735 = arith.addf %mul3A_732, %add3A_734 : vector<16xf32>
          %convert_element_type3A_736 = arith.fptosi %add3A_735 : vector<16xf32> to vector<16xi32>
          %add3A_737 = arith.addi %convert_element_type3A_736, %mul3A_41 : vector<16xi32>
          tpu.vector_store_idx %arg9[%add3A_737], %broadcast_in_dim3A_43 {add = true} : memref<77824xi32, #tpu.memory_space<vmem>>[vector<16xi32>], vector<16xi32>,
          %mul3A_738 = arith.mulf %exp3A_645, %div3A_674 : vector<16xf32>
          %add3A_739 = arith.constant 2.048000e+04 : f32
          %add3A_740 = vector.broadcast %add3A_739 : f32 to vector<16xf32>
          %add3A_741 = arith.addf %mul3A_738, %add3A_740 : vector<16xf32>
          %convert_element_type3A_742 = arith.fptosi %add3A_741 : vector<16xf32> to vector<16xi32>
          %add3A_743 = arith.addi %convert_element_type3A_742, %mul3A_41 : vector<16xi32>
          tpu.vector_store_idx %arg9[%add3A_743], %broadcast_in_dim3A_43 {add = true} : memref<77824xi32, #tpu.memory_space<vmem>>[vector<16xi32>], vector<16xi32>,
          %mul3A_744 = arith.mulf %exp3A_646, %div3A_674 : vector<16xf32>
          %add3A_745 = arith.constant 2.252800e+04 : f32
          %add3A_746 = vector.broadcast %add3A_745 : f32 to vector<16xf32>
          %add3A_747 = arith.addf %mul3A_744, %add3A_746 : vector<16xf32>
          %convert_element_type3A_748 = arith.fptosi %add3A_747 : vector<16xf32> to vector<16xi32>
          %add3A_749 = arith.addi %convert_element_type3A_748, %mul3A_41 : vector<16xi32>
          tpu.vector_store_idx %arg9[%add3A_749], %broadcast_in_dim3A_43 {add = true} : memref<77824xi32, #tpu.memory_space<vmem>>[vector<16xi32>], vector<16xi32>,
          %mul3A_750 = arith.mulf %exp3A_647, %div3A_674 : vector<16xf32>
          %add3A_751 = arith.constant 2.457600e+04 : f32
          %add3A_752 = vector.broadcast %add3A_751 : f32 to vector<16xf32>
          %add3A_753 = arith.addf %mul3A_750, %add3A_752 : vector<16xf32>
          %convert_element_type3A_754 = arith.fptosi %add3A_753 : vector<16xf32> to vector<16xi32>
          %add3A_755 = arith.addi %convert_element_type3A_754, %mul3A_41 : vector<16xi32>
          tpu.vector_store_idx %arg9[%add3A_755], %broadcast_in_dim3A_43 {add = true} : memref<77824xi32, #tpu.memory_space<vmem>>[vector<16xi32>], vector<16xi32>,
          %mul3A_756 = arith.mulf %exp3A_648, %div3A_674 : vector<16xf32>
          %add3A_757 = arith.constant 2.662400e+04 : f32
          %add3A_758 = vector.broadcast %add3A_757 : f32 to vector<16xf32>
          %add3A_759 = arith.addf %mul3A_756, %add3A_758 : vector<16xf32>
          %convert_element_type3A_760 = arith.fptosi %add3A_759 : vector<16xf32> to vector<16xi32>
          %add3A_761 = arith.addi %convert_element_type3A_760, %mul3A_41 : vector<16xi32>
          tpu.vector_store_idx %arg9[%add3A_761], %broadcast_in_dim3A_43 {add = true} : memref<77824xi32, #tpu.memory_space<vmem>>[vector<16xi32>], vector<16xi32>,
          %mul3A_762 = arith.mulf %exp3A_649, %div3A_674 : vector<16xf32>
          %add3A_763 = arith.constant 2.867200e+04 : f32
          %add3A_764 = vector.broadcast %add3A_763 : f32 to vector<16xf32>
          %add3A_765 = arith.addf %mul3A_762, %add3A_764 : vector<16xf32>
          %convert_element_type3A_766 = arith.fptosi %add3A_765 : vector<16xf32> to vector<16xi32>
          %add3A_767 = arith.addi %convert_element_type3A_766, %mul3A_41 : vector<16xi32>
          tpu.vector_store_idx %arg9[%add3A_767], %broadcast_in_dim3A_43 {add = true} : memref<77824xi32, #tpu.memory_space<vmem>>[vector<16xi32>], vector<16xi32>,
          %mul3A_768 = arith.mulf %exp3A_650, %div3A_674 : vector<16xf32>
          %add3A_769 = arith.constant 3.072000e+04 : f32
          %add3A_770 = vector.broadcast %add3A_769 : f32 to vector<16xf32>
          %add3A_771 = arith.addf %mul3A_768, %add3A_770 : vector<16xf32>
          %convert_element_type3A_772 = arith.fptosi %add3A_771 : vector<16xf32> to vector<16xi32>
          %add3A_773 = arith.addi %convert_element_type3A_772, %mul3A_41 : vector<16xi32>
          tpu.vector_store_idx %arg9[%add3A_773], %broadcast_in_dim3A_43 {add = true} : memref<77824xi32, #tpu.memory_space<vmem>>[vector<16xi32>], vector<16xi32>,
          %mul3A_774 = arith.mulf %exp3A_651, %div3A_674 : vector<16xf32>
          %add3A_775 = arith.constant 3.276800e+04 : f32
          %add3A_776 = vector.broadcast %add3A_775 : f32 to vector<16xf32>
          %add3A_777 = arith.addf %mul3A_774, %add3A_776 : vector<16xf32>
          %convert_element_type3A_778 = arith.fptosi %add3A_777 : vector<16xf32> to vector<16xi32>
          %add3A_779 = arith.addi %convert_element_type3A_778, %mul3A_41 : vector<16xi32>
          tpu.vector_store_idx %arg9[%add3A_779], %broadcast_in_dim3A_43 {add = true} : memref<77824xi32, #tpu.memory_space<vmem>>[vector<16xi32>], vector<16xi32>,
          %mul3A_780 = arith.mulf %exp3A_652, %div3A_674 : vector<16xf32>
          %add3A_781 = arith.constant 3.481600e+04 : f32
          %add3A_782 = vector.broadcast %add3A_781 : f32 to vector<16xf32>
          %add3A_783 = arith.addf %mul3A_780, %add3A_782 : vector<16xf32>
          %convert_element_type3A_784 = arith.fptosi %add3A_783 : vector<16xf32> to vector<16xi32>
          %add3A_785 = arith.addi %convert_element_type3A_784, %mul3A_41 : vector<16xi32>
          tpu.vector_store_idx %arg9[%add3A_785], %broadcast_in_dim3A_43 {add = true} : memref<77824xi32, #tpu.memory_space<vmem>>[vector<16xi32>], vector<16xi32>,
          %mul3A_786 = arith.mulf %exp3A_653, %div3A_674 : vector<16xf32>
          %add3A_787 = arith.constant 3.686400e+04 : f32
          %add3A_788 = vector.broadcast %add3A_787 : f32 to vector<16xf32>
          %add3A_789 = arith.addf %mul3A_786, %add3A_788 : vector<16xf32>
          %convert_element_type3A_790 = arith.fptosi %add3A_789 : vector<16xf32> to vector<16xi32>
          %add3A_791 = arith.addi %convert_element_type3A_790, %mul3A_41 : vector<16xi32>
          tpu.vector_store_idx %arg9[%add3A_791], %broadcast_in_dim3A_43 {add = true} : memref<77824xi32, #tpu.memory_space<vmem>>[vector<16xi32>], vector<16xi32>,
          %broadcast_in_dim3A_792 = vector.broadcast %scan3A_255 : i32 to vector<16xi32>
          %add3A_793 = vector.broadcast %mul3A_539 : i32 to vector<16xi32>
          %add3A_794 = arith.addi %add3A_793, %iota3A : vector<16xi32>
          %gather3A_795 = tpu.vector_load_idx %arg6[%get3A_677, %broadcast_in_dim3A_792, %add3A_794] : memref<19x8x128xf32, #tpu.memory_space<vmem>>[vector<16xi32>, vector<16xi32>, vector<16xi32>], vector<16xf32>,
          %exp3A_796 = math.exp %gather3A_795 : vector<16xf32>
          %mul3A_797 = arith.mulf %exp3A_796, %div3A_674 : vector<16xf32>
          %mul3A_798 = arith.constant 2048 : i32
          %mul3A_799 = vector.broadcast %mul3A_798 : i32 to vector<16xi32>
          %mul3A_800 = arith.muli %get3A_677, %mul3A_799 : vector<16xi32>
          %add3A_801 = arith.addi %mul3A_800, %mul3A_41 : vector<16xi32>
          %sub3A_802 = arith.constant 1.275000e+02 : f32
          %sub3A_803 = vector.broadcast %sub3A_802 : f32 to vector<16xf32>
          %sub3A_804 = arith.subf %sub3A_803, %mul3A_797 : vector<16xf32>
          %max3A_805 = arith.constant 0.000000e+00 : f32
          %max3A_806 = vector.broadcast %max3A_805 : f32 to vector<16xf32>
          %max3A_807 = arith.maximumf %sub3A_804, %max3A_806 : vector<16xf32>
          %add3A_808 = arith.constant 3.891200e+04 : f32
          %add3A_809 = vector.broadcast %add3A_808 : f32 to vector<16xf32>
          %add3A_810 = arith.addf %max3A_807, %add3A_809 : vector<16xf32>
          %convert_element_type3A_811 = arith.fptosi %add3A_810 : vector<16xf32> to vector<16xi32>
          %add3A_812 = arith.addi %convert_element_type3A_811, %add3A_801 : vector<16xi32>
          tpu.vector_store_idx %arg9[%add3A_812], %broadcast_in_dim3A_43 {add = true} : memref<77824xi32, #tpu.memory_space<vmem>>[vector<16xi32>], vector<16xi32>,
          %convert_element_type3A_813 = arith.fptosi %mul3A_797 : vector<16xf32> to vector<16xi32>
          %add3A_814 = arith.addi %convert_element_type3A_813, %add3A_801 : vector<16xi32>
          tpu.vector_store_idx %arg9[%add3A_814], %broadcast_in_dim3A_45 {add = true} : memref<77824xi32, #tpu.memory_space<vmem>>[vector<16xi32>], vector<16xi32>,
        }
        %scan3A_261 = arith.constant 8 : i32
      }
      %scan3A_254 = arith.constant 8 : i32
    }
    %scan3A_66 = arith.constant 9 : i32
    %mul3A_67 = arith.constant 77824 : i32
    %mul3A_68 = arith.muli %add3A, %mul3A_67 : i32
    "tpu.region"() ({
      %run_scoped3A = tpu.sem_alloc : memref<!tpu.dma_semaphore, #tpu.memory_space<semaphore_mem>>
      %dma_start3A_69 = tpu.memref_slice %arg4[%mul3A_68] : memref<2490368xi32, #tpu.memory_space<hbm>> -> memref<77824xi32, #tpu.memory_space<hbm>>
      %dma_start3A_70 = tpu.memref_slice %arg4[%mul3A_68] : memref<2490368xi32, #tpu.memory_space<hbm>> -> memref<77824xi32, #tpu.memory_space<hbm>>
      tpu.enqueue_dma source(%arg9 : memref<77824xi32, #tpu.memory_space<vmem>>) target(%dma_start3A_70 : memref<77824xi32, #tpu.memory_space<hbm>>) target_semaphore(%run_scoped3A : memref<!tpu.dma_semaphore, #tpu.memory_space<semaphore_mem>>)
      %dma_wait3A = tpu.memref_slice %arg4[%mul3A_68] : memref<2490368xi32, #tpu.memory_space<hbm>> -> memref<77824xi32, #tpu.memory_space<hbm>>
      %dma_wait3A_71 = tpu.memref_slice %arg4[%mul3A_68] : memref<2490368xi32, #tpu.memory_space<hbm>> -> memref<77824xi32, #tpu.memory_space<hbm>>
      tpu.wait_dma2 semaphore(%run_scoped3A : memref<!tpu.dma_semaphore, #tpu.memory_space<semaphore_mem>>) src(%arg9 : memref<77824xi32, #tpu.memory_space<vmem>>) dst(%dma_wait3A_71 : memref<77824xi32, #tpu.memory_space<hbm>>)
      tpu.yield
    }) : () -> ()
    return
  }
}

module attributes {stable_mosaic.version = 14 : i64} {
  func.func @_finalize_body(%arg0: memref<19456x128xi32, #tpu.memory_space<vmem>>, %arg1: memref<1x1xf32, #tpu.memory_space<vmem>>) attributes {dimension_semantics = [], scalar_prefetch = 0 : i64, scratch_operands = 0 : i64, tpu.core_type = #tpu.core_type<tc>} {
    %get3A = arith.constant 0 : index
    %get3A_0 = arith.constant 0 : index
    %get3A_1 = vector.load %arg0[%get3A, %get3A_0] : memref<19456x128xi32, #tpu.memory_space<vmem>>, vector<19456x128xi32>
    %convert_element_type3A = arith.sitofp %get3A_1 : vector<19456x128xi32> to vector<19456x128xf32>
    %iota3A = tpu.iota {dimensions = array<i32: 0>} : vector<38x19456xi32>
    %iota3A_2 = tpu.iota {dimensions = array<i32: 1>} : vector<38x19456xi32>
    %jit3A = arith.constant 16 : i32
    %div3A = vector.broadcast %jit3A : i32 to vector<38x19456xi32>
    %div3A_3 = arith.divsi %iota3A_2, %div3A : vector<38x19456xi32>
    %sign3A = arith.constant 0 : i32
    %sign3A_4 = vector.broadcast %sign3A : i32 to vector<38x19456xi32>
    %sign3A_5 = arith.cmpi sgt, %iota3A_2, %sign3A_4 : vector<38x19456xi32>
    %sign3A_6 = arith.extui %sign3A_5 : vector<38x19456xi1> to vector<38x19456xi32>
    %sign3A_7 = arith.constant 0 : i32
    %sign3A_8 = vector.broadcast %sign3A_7 : i32 to vector<38x19456xi32>
    %sign3A_9 = arith.cmpi slt, %iota3A_2, %sign3A_8 : vector<38x19456xi32>
    %sign3A_10 = arith.extui %sign3A_9 : vector<38x19456xi1> to vector<38x19456xi32>
    %sign3A_11 = arith.subi %sign3A_6, %sign3A_10 : vector<38x19456xi32>
    %sign3A_12 = arith.constant 0 : i32
    %sign3A_13 = arith.cmpi sgt, %jit3A, %sign3A_12 : i32
    %sign3A_14 = arith.extui %sign3A_13 : i1 to i32
    %sign3A_15 = arith.constant 0 : i32
    %sign3A_16 = arith.cmpi slt, %jit3A, %sign3A_15 : i32
    %sign3A_17 = arith.extui %sign3A_16 : i1 to i32
    %sign3A_18 = arith.subi %sign3A_14, %sign3A_17 : i32
    %ne3A = vector.broadcast %sign3A_18 : i32 to vector<38x19456xi32>
    %ne3A_19 = arith.cmpi ne, %sign3A_11, %ne3A : vector<38x19456xi32>
    %rem3A = vector.broadcast %jit3A : i32 to vector<38x19456xi32>
    %rem3A_20 = arith.remsi %iota3A_2, %rem3A : vector<38x19456xi32>
    %ne3A_21 = arith.constant 0 : i32
    %ne3A_22 = vector.broadcast %ne3A_21 : i32 to vector<38x19456xi32>
    %ne3A_23 = arith.cmpi ne, %rem3A_20, %ne3A_22 : vector<38x19456xi32>
    %and3A = arith.andi %ne3A_19, %ne3A_23 : vector<38x19456xi1>
    %sub3A = arith.constant 1 : i32
    %sub3A_24 = vector.broadcast %sub3A : i32 to vector<38x19456xi32>
    %sub3A_25 = arith.subi %div3A_3, %sub3A_24 : vector<38x19456xi32>
    %select_n3A = arith.select %and3A, %sub3A_25, %div3A_3 : vector<38x19456xi1>, vector<38x19456xi32>
    %jit3A_26 = arith.constant 38 : i32
    %eq3A = arith.constant 0 : i32
    %eq3A_27 = arith.cmpi eq, %jit3A_26, %eq3A : i32
    %jit3A_28 = arith.constant 1 : i32
    %select_n3A_29 = arith.select %eq3A_27, %jit3A_28, %jit3A_26 : i32
    %rem3A_30 = vector.broadcast %select_n3A_29 : i32 to vector<38x19456xi32>
    %rem3A_31 = arith.remsi %select_n3A, %rem3A_30 : vector<38x19456xi32>
    %ne3A_32 = arith.constant 0 : i32
    %ne3A_33 = vector.broadcast %ne3A_32 : i32 to vector<38x19456xi32>
    %ne3A_34 = arith.cmpi ne, %rem3A_31, %ne3A_33 : vector<38x19456xi32>
    %lt3A = arith.constant 0 : i32
    %lt3A_35 = vector.broadcast %lt3A : i32 to vector<38x19456xi32>
    %lt3A_36 = arith.cmpi slt, %rem3A_31, %lt3A_35 : vector<38x19456xi32>
    %lt3A_37 = arith.constant 0 : i32
    %lt3A_38 = arith.cmpi slt, %select_n3A_29, %lt3A_37 : i32
    %ne3A_39 = vector.broadcast %lt3A_38 : i1 to vector<38x19456xi1>
    %ne3A_40 = vector.broadcast %ne3A_39 : vector<38x19456xi1> to vector<38x19456xi1>
    %ne3A_41 = arith.xori %lt3A_36, %ne3A_40 : vector<38x19456xi1>
    %and3A_42 = arith.andi %ne3A_41, %ne3A_34 : vector<38x19456xi1>
    %add3A = vector.broadcast %select_n3A_29 : i32 to vector<38x19456xi32>
    %add3A_43 = arith.addi %rem3A_31, %add3A : vector<38x19456xi32>
    %select_n3A_44 = arith.select %and3A_42, %add3A_43, %rem3A_31 : vector<38x19456xi1>, vector<38x19456xi32>
    %eq3A_45 = arith.cmpi eq, %select_n3A_44, %iota3A : vector<38x19456xi32>
    %convert_element_type3A_46 = arith.extui %eq3A_45 : vector<38x19456xi1> to vector<38x19456xi32>
    %convert_element_type3A_47 = arith.sitofp %convert_element_type3A_46 : vector<38x19456xi32> to vector<38x19456xf32>
    %dot_general3A = arith.constant dense<0.000000e+00> : vector<38x128xf32>
    %dot_general3A_48 = tpu.matmul %convert_element_type3A_47, %convert_element_type3A, %dot_general3A {dimension_numbers = #tpu.dot_dimension_numbers<[1], [0], [0], [1], [0, 0, 1, 1], [], []>, transpose_lhs_hint = false} : vector<38x19456xf32>, vector<19456x128xf32>, vector<38x128xf32> -> vector<38x128xf32>
    %slice3A = vector.extract_strided_slice %dot_general3A_48 {offsets = [0, 0], sizes = [19, 128], strides = [1, 1]} : vector<38x128xf32> to vector<19x128xf32>
    %slice3A_49 = vector.extract_strided_slice %dot_general3A_48 {offsets = [19, 0], sizes = [19, 128], strides = [1, 1]} : vector<38x128xf32> to vector<19x128xf32>
    %add3A_50 = arith.addf %slice3A, %slice3A_49 : vector<19x128xf32>
    %iota3A_51 = tpu.iota {dimensions = array<i32: 0>} : vector<128x128xi32>
    %iota3A_52 = tpu.iota {dimensions = array<i32: 1>} : vector<128x128xi32>
    %ge3A = arith.cmpi sge, %iota3A_51, %iota3A_52 : vector<128x128xi32>
    %convert_element_type3A_53 = arith.extui %ge3A : vector<128x128xi1> to vector<128x128xi32>
    %convert_element_type3A_54 = arith.sitofp %convert_element_type3A_53 : vector<128x128xi32> to vector<128x128xf32>
    %concatenate3A = tpu.concatenate %add3A_50, %slice3A_49 in 0 : vector<19x128xf32>, vector<19x128xf32> -> vector<38x128xf32>
    %dot_general3A_55 = arith.constant dense<0.000000e+00> : vector<38x128xf32>
    %dot_general3A_56 = tpu.matmul %concatenate3A, %convert_element_type3A_54, %dot_general3A_55 {dimension_numbers = #tpu.dot_dimension_numbers<[1], [0], [0], [1], [0, 0, 1, 1], [], []>, transpose_lhs_hint = false} : vector<38x128xf32>, vector<128x128xf32>, vector<38x128xf32> -> vector<38x128xf32>
    %slice3A_57 = vector.extract_strided_slice %dot_general3A_56 {offsets = [0, 0], sizes = [19, 128], strides = [1, 1]} : vector<38x128xf32> to vector<19x128xf32>
    %slice3A_58 = vector.extract_strided_slice %dot_general3A_56 {offsets = [19, 0], sizes = [19, 128], strides = [1, 1]} : vector<38x128xf32> to vector<19x128xf32>
    %slice3A_59 = vector.extract_strided_slice %slice3A_58 {offsets = [0, 0], sizes = [19, 1], strides = [1, 1]} : vector<19x128xf32> to vector<19x1xf32>
    %sub3A_60 = vector.broadcast %slice3A_59 : vector<19x1xf32> to vector<19x128xf32>
    %sub3A_61 = arith.subf %sub3A_60, %slice3A_58 : vector<19x128xf32>
    %add3A_62 = vector.broadcast %slice3A_59 : vector<19x1xf32> to vector<19x128xf32>
    %add3A_63 = arith.addf %add3A_62, %slice3A_57 : vector<19x128xf32>
    %sub3A_64 = arith.subf %add3A_63, %slice3A_58 : vector<19x128xf32>
    %max3A = arith.constant 1.000000e+00 : f32
    %max3A_65 = vector.broadcast %max3A : f32 to vector<19x128xf32>
    %max3A_66 = arith.maximumf %sub3A_64, %max3A_65 : vector<19x128xf32>
    %div3A_67 = arith.divf %sub3A_61, %max3A_66 : vector<19x128xf32>
    %sub3A_68 = arith.constant 1.000000e+00 : f32
    %sub3A_69 = vector.broadcast %sub3A_68 : f32 to vector<19x128xf32>
    %sub3A_70 = arith.subf %sub3A_69, %div3A_67 : vector<19x128xf32>
    %iota3A_71 = tpu.iota {dimensions = array<i32: 1>} : vector<19x128xi32>
    %eq3A_72 = arith.constant 0 : i32
    %eq3A_73 = vector.broadcast %eq3A_72 : i32 to vector<19x128xi32>
    %eq3A_74 = arith.cmpi eq, %iota3A_71, %eq3A_73 : vector<19x128xi32>
    %jit3A_75 = arith.constant 5.000000e-01 : f32
    %jit3A_76 = arith.constant 1.000000e+00 : f32
    %broadcast_in_dim3A = vector.broadcast %jit3A_75 : f32 to vector<19x128xf32>
    %broadcast_in_dim3A_77 = vector.broadcast %jit3A_76 : f32 to vector<19x128xf32>
    %select_n3A_78 = arith.select %eq3A_74, %broadcast_in_dim3A, %broadcast_in_dim3A_77 : vector<19x128xi1>, vector<19x128xf32>
    %mul3A = arith.constant 0.00784313772 : f32
    %mul3A_79 = vector.broadcast %mul3A : f32 to vector<19x128xf32>
    %mul3A_80 = arith.mulf %select_n3A_78, %mul3A_79 : vector<19x128xf32>
    %mul3A_81 = arith.mulf %sub3A_70, %mul3A_80 : vector<19x128xf32>
    %reduce_sum3A = arith.constant dense<0.000000e+00> : vector<19xf32>
    %reduce_sum3A_82 = vector.multi_reduction <add>, %mul3A_81, %reduce_sum3A [1] : vector<19x128xf32> to vector<19xf32>
    %squeeze3A = vector.shape_cast %slice3A_59 : vector<19x1xf32> to vector<19xf32>
    %gt3A = arith.constant 0.000000e+00 : f32
    %gt3A_83 = vector.broadcast %gt3A : f32 to vector<19xf32>
    %gt3A_84 = arith.cmpf ogt, %squeeze3A, %gt3A_83 : vector<19xf32>
    %convert_element_type3A_85 = arith.extui %gt3A_84 : vector<19xi1> to vector<19xi32>
    %convert_element_type3A_86 = arith.sitofp %convert_element_type3A_85 : vector<19xi32> to vector<19xf32>
    %reduce_sum3A_87 = vector.shape_cast %convert_element_type3A_86 : vector<19xf32> to vector<1x19xf32>
    %reduce_sum3A_88 = arith.constant dense<0.000000e+00> : vector<1xf32>
    %reduce_sum3A_89 = vector.multi_reduction <add>, %reduce_sum3A_87, %reduce_sum3A_88 [1] : vector<1x19xf32> to vector<1xf32>
    %reduce_sum3A_90 = vector.shape_cast %reduce_sum3A_89 : vector<1xf32> to vector<1x1xf32>
    %reduce_sum3A_91 = vector.extract %reduce_sum3A_90[0, 0] : f32 from vector<1x1xf32>
    %jit3A_92 = arith.constant 0.000000e+00 : f32
    %broadcast_in_dim3A_93 = vector.broadcast %jit3A_92 : f32 to vector<19xf32>
    %select_n3A_94 = arith.select %gt3A_84, %reduce_sum3A_82, %broadcast_in_dim3A_93 : vector<19xi1>, vector<19xf32>
    %reduce_sum3A_95 = vector.shape_cast %select_n3A_94 : vector<19xf32> to vector<1x19xf32>
    %reduce_sum3A_96 = arith.constant dense<0.000000e+00> : vector<1xf32>
    %reduce_sum3A_97 = vector.multi_reduction <add>, %reduce_sum3A_95, %reduce_sum3A_96 [1] : vector<1x19xf32> to vector<1xf32>
    %reduce_sum3A_98 = vector.shape_cast %reduce_sum3A_97 : vector<1xf32> to vector<1x1xf32>
    %reduce_sum3A_99 = vector.extract %reduce_sum3A_98[0, 0] : f32 from vector<1x1xf32>
    %gt3A_100 = arith.constant 0.000000e+00 : f32
    %gt3A_101 = arith.cmpf ogt, %reduce_sum3A_91, %gt3A_100 : f32
    %div3A_102 = arith.divf %reduce_sum3A_99, %reduce_sum3A_91 : f32
    %jit3A_103 = arith.constant 0.000000e+00 : f32
    %select_n3A_104 = arith.select %gt3A_101, %div3A_102, %jit3A_103 : f32
    %broadcast_in_dim3A_105 = vector.broadcast %select_n3A_104 : f32 to vector<1x1xf32>
    %swap3A = arith.constant 0 : index
    %swap3A_106 = arith.constant 0 : index
    %swap3A_107 = vector.load %arg1[%swap3A, %swap3A_106] : memref<1x1xf32, #tpu.memory_space<vmem>>, vector<1x1xf32>
    tpu.vector_store %arg1[%swap3A, %swap3A_106], %broadcast_in_dim3A_105 {strides = array<i32>} : memref<1x1xf32, #tpu.memory_space<vmem>>, vector<1x1xf32>,
    return
  }
}

</mosaic_0001>

<sc_bundles>
// kernel: kernel.4.cloned.1.call-start
scs
__scs_entry_jumppad:
0x0: {  	(pc) =	sbr.rel $0x88, $3  }
0x1: {  	(tag) =	ssettag $0x0;
	lr =	simm.s32 $0x1  }
0x2: {  	[smem:$0x3F9F] =	sst lr;
	_ =	strace $0xD0000000  }
0x3: {  	_ = 	snop  }
0x4: {  	_ = 	snop  }
0x5: {  	_ = 	snop  }
0x6: {  	_ = 	snop  }
0x7: {  	_ = 	snop  }
__scs_overlays_trampoline_lowered:
0x8: {  	[smem:$0x3FAE] =	sst s0  }
0x9: {  	[smem:$0x3FAF] =	sst s1  }
0xa: {  	[smem:$0x3FB0] =	sst s2  }
0xb: {  	[smem:$0x3FB1] =	sst s3  }
0xc: {  	[smem:$0x3FB2] =	sst s4  }
0xd: {  	[smem:$0x3FB3] =	sst s5  }
0xe: {  	[smem:$0x3FB4] =	sst s6  }
0xf: {  	[smem:$0x3FB5] =	sst s7  }
0x10: {  	[smem:$0x3FB6] =	sst s8  }
0x11: {  	[smem:$0x3FB7] =	sst s9;
	s0 =	simm.s32 @!p0 $0x0  }
0x12: {  	s1 =	sld [smem:$0x3F9D];
	s0 =	simm.s32 @p0 $0x1  }
0x13: {  	[smem:$0x3FB8] =	sst s0;
	s0 =	simm.s32 @!p1 $0x0  }
0x14: {  	s2 =	sld [smem:$0x3F9C];
	s0 =	simm.s32 @p1 $0x1  }
0x15: {  	[smem:$0x3FB9] =	sst s0;
	s0 =	simm.s32 @!p2 $0x0  }
0x16: {  	s3 =	sld [smem:$0x3FDB];
	s0 =	simm.s32 @p2 $0x1  }
0x17: {  	s4 =	simm.s32 $0x1BF5;
	[smem:$0x3FBB] =	sst s0  }
0x18: {  	s0 =	sld [smem:$0x3F9E];
	_ =	swait.ge [sflag:s4], $0x0  }
0x19: {  	s7 =	sld [smem:$0x3F9F]  }
0x1a: {  	s8 =	sadd.s32 $0xFFFFE003, lr  }
0x1b: {  	s9 =	sadd.s32 $0xFFFFFEF7, lr;
	s5 =	simm.s32 $0xFFFFFFFF;
	p2 =	slt.u32 s8, $0xFFFFF086  }
0x1c: {  	p1 =	slt.u32 s9, $0xF7A;
	s5 =	simm.s32 @!p2 $0x0  }
0x1d: {  	s5 =	simm.s32 @p1 $0x1;
	p0 =	seq.s32 s7, s2  }
0x1e: {  	s7 =	smul.u32 @!p0 $0xF7A, s2;
	p2 =	seq.s32 @!p0 s5, $0x0  }
0x1f: {  	s9 =	smul.u32 $0xF7A, s1;
	s8 =	simm.s32 @!p0 $0x1BF5;
	p2 =	por !p2, p0  }
0x20: {  	[sflag:s8] =	ssyncset.s32 @!p0 $0xFFFFF086;
	s6 =	sadd.s32 @!p0 s3, s7;
	s7 =	simm.s32 @!p0 $0x108  }
0x21: {  	s3 =	sadd.s32 s3, s9;
	s6 =	sadd.s32 @!p0 $0x88, s6;
	s7 =	simm.s32 @p2 $0x1082  }
0x22: {  	[simem:s7], [sflag:s8] =	dma.local @!p0 [hbm:s6], $0xF7A  }
0x23: {  	s9 =	sor.u32 $0xD0000000, s2;
	s6 =	simm.s32 $0x108;
	_ =	swait.ge @!p0 [sflag:s8], $0x0  }
0x24: {  	s3 =	sadd.s32 $0x88, s3;
	s6 =	simm.s32 @!p1 $0x1082;
	[sflag:s4] =	ssyncset.s32 $0xFFFFF086  }
0x25: {  	[simem:s6], [sflag:s4] =	dma.local [hbm:s3], $0xF7A  }
0x26: {  	[smem:$0x3F9F] =	sst s1;
	(tag) =	ssettag s2;
	_ =	strace s9  }
0x27: {  	s1 =	sld [smem:$0x3FAF]  }
0x28: {  	s2 =	sld [smem:$0x3FB0]  }
0x29: {  	s4 =	sld [smem:$0x3FB2]  }
0x2a: {  	p0 =	seq.s32 s5, $0x0;
	s5 =	sld [smem:$0x3FB3]  }
0x2b: {  	s6 =	sld [smem:$0x3FB4]  }
0x2c: {  	s7 =	sld [smem:$0x3FB5]  }
0x2d: {  	s3 =	simm.s32 $0x108;
	s8 =	sld [smem:$0x3FB6]  }
0x2e: {  	s3 =	simm.s32 @!p0 $0x1082;
	s9 =	sld [smem:$0x3FB7]  }
0x2f: {  	lr =	sadd.s32 s0, s3;
	s0 =	sld [smem:$0x3FAE]  }
0x30: {  	s3 =	sld [smem:$0x3FB1]  }
0x31: {  	[smem:$0x3FBA] =	sst s10  }
0x32: {  	s10 =	sld [smem:$0x3FB8];
	_ =	sdelay $0x3  }
0x33: {  	p0 =	seq.s32 s10, $0x1;
	s10 =	sld [smem:$0x3FBA];
	_ =	sdelay $0x3  }
0x34: {  	[smem:$0x3FBA] =	sst s10  }
0x35: {  	s10 =	sld [smem:$0x3FB9];
	_ =	sdelay $0x3  }
0x36: {  	p1 =	seq.s32 s10, $0x1;
	s10 =	sld [smem:$0x3FBA];
	_ =	sdelay $0x3  }
0x37: {  	[smem:$0x3FBA] =	sst s10  }
0x38: {  	s10 =	sld [smem:$0x3FBB]  }
0x39: {  	_ = 	snop;
	(pc) =	sbr.ind lr, $3  }
0x3a: {  	_ = 	snop  }
0x3b: {  	_ = 	snop  }
0x3c: {  	p2 =	seq.s32 s10, $0x1;
	s10 =	sld [smem:$0x3FBA]  }
0x3d: {  	_ =	shalt  }
0x3e: {  	_ =	shalt  }
0x3f: {  	_ =	shalt  }
0x40: {  	_ =	shalt  }
0x41: {  	_ =	shalt  }
0x42: {  	_ =	shalt  }
0x43: {  	_ =	shalt  }
0x44: {  	_ =	shalt  }
0x45: {  	_ =	shalt  }
0x46: {  	_ =	shalt  }
0x47: {  	_ =	shalt  }
0x48: {  	_ =	shalt  }
0x49: {  	_ =	shalt  }
0x4a: {  	_ =	shalt  }
0x4b: {  	_ =	shalt  }
0x4c: {  	_ =	shalt  }
0x4d: {  	_ =	shalt  }
0x4e: {  	_ =	shalt  }
0x4f: {  	_ =	shalt  }
0x50: {  	_ =	shalt  }
0x51: {  	_ =	shalt  }
0x52: {  	_ =	shalt  }
0x53: {  	_ =	shalt  }
0x54: {  	_ =	shalt  }
0x55: {  	_ =	shalt  }
0x56: {  	_ =	shalt  }
0x57: {  	_ =	shalt  }
0x58: {  	_ =	shalt  }
0x59: {  	_ =	shalt  }
0x5a: {  	_ =	shalt  }
0x5b: {  	_ =	shalt  }
0x5c: {  	_ =	shalt  }
0x5d: {  	_ =	shalt  }
0x5e: {  	_ =	shalt  }
0x5f: {  	_ =	shalt  }
0x60: {  	_ =	shalt  }
0x61: {  	_ =	shalt  }
0x62: {  	_ =	shalt  }
0x63: {  	_ =	shalt  }
0x64: {  	_ =	shalt  }
0x65: {  	_ =	shalt  }
0x66: {  	_ =	shalt  }
0x67: {  	_ =	shalt  }
0x68: {  	_ =	shalt  }
0x69: {  	_ =	shalt  }
0x6a: {  	_ =	shalt  }
0x6b: {  	_ =	shalt  }
0x6c: {  	_ =	shalt  }
0x6d: {  	_ =	shalt  }
0x6e: {  	_ =	shalt  }
0x6f: {  	_ =	shalt  }
0x70: {  	_ =	shalt  }
0x71: {  	_ =	shalt  }
0x72: {  	_ =	shalt  }
0x73: {  	_ =	shalt  }
0x74: {  	_ =	shalt  }
0x75: {  	_ =	shalt  }
0x76: {  	_ =	shalt  }
0x77: {  	_ =	shalt  }
0x78: {  	_ =	shalt  }
0x79: {  	_ =	shalt  }
0x7a: {  	_ =	shalt  }
0x7b: {  	_ =	shalt  }
0x7c: {  	_ =	shalt  }
0x7d: {  	_ =	shalt  }
0x7e: {  	_ =	shalt  }
0x7f: {  	_ =	shalt  }
0x80: {  	_ =	shalt  }
0x81: {  	_ =	shalt  }
0x82: {  	_ =	shalt  }
0x83: {  	_ =	shalt  }
0x84: {  	_ =	shalt  }
0x85: {  	_ =	shalt  }
0x86: {  	_ =	shalt  }
0x87: {  	_ =	shalt  }
.Lfunc_end0:
.L_simem_size_0:
called_computation_lowered:
.L_overlay_start_0:
0x88: {  	s2 =	sld [smem:$0x3FD9]  }
0x89: {  	s3 =	sld [smem:$0x3FFE];
	_ =	sdelay $0x1  }
0x8a: {  	s1 =	srdreg.scid  }
0x8b: {  	s0 =	sand.u32 $0x1, s1  }
0x8c: {  	s17 =	sshll.u32 s0, $0xA;
	s2 =	sadd.s32 s3, s2  }
0x8d: {  	s2 =	sadd.s32 s2, s17  }
0x8e: {  	[smem:$0x3FC6] =	sst s2  }
0x8f: {  	_ = 	snop  }
0x90: {  	s2 =	sld [smem:$0x3FC9]  }
0x91: {  	s18 =	sld [smem:$0x3FC8];
	(tm) =	ssettm $0x1  }
0x92: {  	s4 =	sld [smem:$0x3FFB];
	_ =	sdelay $0x3  }
0x93: {  	_ =	strace s4  }
0x94: {  	s4 =	sld [smem:$0x3FFC];
	_ =	sdelay $0x3  }
0x95: {  	_ =	strace s4  }
0x96: {  	s4 =	sld [smem:$0x3FFD];
	_ =	sdelay $0x3  }
0x97: {  	_ =	strace s4  }
0x98: {  	_ =	strace $0x8FFFFFFF  }
0x99: {  	s19 =	sld [smem:$0x3FDB];
	_ =	sdelay $0x1  }
0x9a: {  	s5 =	simm.s32 $_scs_section_size  }
0x9b: {  	s6 =	simm.s32 $_size__tile_overlayer_lowered;
	s7 =	simm.s32 $_tile_overlayer_lowered  }
0x9c: {  	s22 =	simm.s32 $0x1BFF;
	s21 =	sshll.u32 s7, $0x1;
	s4 =	sadd.s32 s5, s19  }
0x9d: {  	s8 =	simm.s32 $0x0;
	s20 =	sshll.u32 s6, $0x1;
	s6 =	sadd.s32 s21, s4  }
0x9e: {  	[timem:s8], [sflag:s22] =	dma.local [hbm:s6], s20  }
0x9f: {  	_ =	swait.ge [sflag:s22], s20  }
0xa0: {  	s5 =	ssub.s32 $0x0, s20;
	[sflag:s22] =	ssyncset.done $0x0  }
0xa1: {  	[sflag:s22] =	ssyncadd.s32 s5;
	_ =	sdelay $0x1  }
0xa2: {  	s23 =	simm.s32 $0x1B8B  }
0xa3: {  	_ =	swait.ge [sflag:s23], $0x1  }
0xa4: {  	[sflag:s23] =	ssyncset.done $0x0  }
0xa5: {  	s25 =	simm.s32 $0x1B8E;
	s24 =	sld [smem:$0x3FFE];
	[sflag:s23] =	ssyncadd.s32 $0xFFFFFFFF  }
0xa6: {  	s26 =	simm.s32 $execute0_lowered;
	[smem:$0x3FD2] =	sst s25  }
0xa7: {  	s6 =	sshll.u32 s26, $0x1;
	_ =	strace $0x80000046;
	[dreg:$0x1] =	wrdreg $0xFFFFFFFF  }
0xa8: {  	s28 =	simm.s32 $_size_execute0_lowered;
	s4 =	sadd.s32 s4, s6;
	[dreg:$0x0] =	wrdreg $0x0  }
0xa9: {  	s6 =	sshll.u32 s28, $0x1;
	[dreg:$0x2] =	wrdreg s4  }
0xaa: {  	[dreg:$0x3] =	wrdreg s6  }
0xab: {  	[dreg:$0x4] =	wrdreg $0xC0  }
0xac: {  	_ =	task [dreg:s8], $0x5FFFF  }
0xad: {  	[dreg:$0x1] =	wrdreg $0xFFFFFFFF  }
0xae: {  	[dreg:$0x0] =	wrdreg $0x60  }
0xaf: {  	[dreg:$0x2] =	wrdreg s2  }
0xb0: {  	[dreg:$0x3] =	wrdreg s18  }
0xb1: {  	[dreg:$0x4] =	wrdreg s24  }
0xb2: {  	[dreg:$0x5] =	wrdreg $0x9  }
0xb3: {  	_ =	task.clear_ibuf [dreg:s8], $0x6FFFF;
	_ =	strace $0x90000046  }
0xb4: {  	s29 =	simm.s32 $0x9;
	_ =	strace $0x80000048  }
0xb5: {  	_ =	swait.ge [sflag:s29], $0x1  }
0xb6: {  	[sflag:s29] =	ssyncadd.s32 $0xFFFFFFFF  }
0xb7: {  	_ =	strace $0x90000048  }
0xb8: {  	_ =	sfence  }
0xb9: {  	s30 =	sld [smem:$0x0];
	_ =	sdelay $0x2  }
0xba: {  	s31 =	sshll.u32 s1, $0xD;
	s1 =	sshrl.u32 s1, $0x2  }
0xbb: {  	s3 =	sand.u32 $0x4000, s31;
	s1 =	sadd.s32 s1, s30  }
0xbc: {  	s0 =	sor.u32 s3, s0;
	s1 =	sshll.u32 s1, $0x11  }
0xbd: {  	s0 =	sor.u32 s1, s0  }
0xbe: {  	s0 =	sadd.s32 $0x8F2B, s0  }
0xbf: {  	[sflag:s0] =	ssyncadd.remote.s32 $0x1  }
0xc0: {  	_ =	sfence.sel $0xFFFF  }
0xc1: {  	[dreg:$0x0] =	wrdreg $0xFFFFFFFF;
	(pc) =	sbr.abs _section_cstart, $3  }
0xc2: {  	[dreg:$0x1] =	wrdreg $0xFFFFFFFF  }
0xc3: {  	_ =	task.clear_ibuf [dreg:s8], $0x2FFFF;
	_ =	strace $0x9FFFFFFF  }
0xc4: {  	(tm) =	ssettm $0x7FFFFFFF  }
0xc5: {  	_ =	shalt  }
tec
execute0_lowered:
.L_overlay_start_1:
0x0: {  	(tag) =	ssettag $0x1  }
0x1: {  	s0 =	srdreg.scid;
	s3 =	stileid.u32  }
0x2: {  	s4 =	simm.s32 $0x1;
	s7 =	rddreg [dreg:$0x2];
	s13 =	simm.s32 $0x400  }
0x3: {  	s14 =	simm.s32 $0x24000;
	s15 =	simm.s32 $0x9800;
	s16 =	simm.s32 $0x4C00  }
0x4: {  	s17 =	simm.s32 $0x9C00;
	s18 =	simm.s32 $0x3;
	s0 =	sand.u32 $0x1, s0  }
0x5: {  	s19 =	simm.s32 $0xA000;
	s20 =	simm.s32 $0x2;
	s1 =	sshll.u32 s0, $0x4  }
0x6: {  	s21 =	simm.s32 $0x4;
	s10 =	sand.u32 $0x7, s3;
	s2 =	sor.u32 s3, s1  }
0x7: {  	s22 =	simm.s32 $0x5;
	p1 =	sne.s32 s10, $0x0;
	p0 =	seq.s32 s2, $0x0  }
0x8: {  	s23 =	simm.s32 $0x0;
	s24 =	simm.s32 $0x0;
	p0 =	por !p1, !p0  }
0x9: {  	s8 =	smul.u32 $0x4800, s10;
	s0 =	ssub.s32 $0x2, s0;
	p0 =	por !p0, !p0  }
0xa: {  	s10 =	smul.u32 $0x6, s10;
	s5 =	sshrl.u32 s2, $0x3;
	s4 =	simm.s32 @!p0 $0x0  }
0xb: {  	s30 =	sshrl.u32 s0, $0x1;
	s2 =	smul.u32 $0x2600, s2;
	s6 =	ssub.s32 s5, s4  }
0xc: {  	s1 =	rddreg [dreg:$0x0];
	s0 =	ssub.s32 s0, s30;
	s5 =	smul.u32 $0x2AC000, s6  }
0xd: {  	s3 =	rddreg [dreg:$0x1];
	s12 =	smax.u32 s0, $0x1;
	s6 =	smul.u32 $0x24000, s6  }
0xe: {  	s2 =	sadd.s32 s2, s7;
	s7 =	simm.s32 $0x1;
	s4 =	simm.s32 $0x0  }
0xf: {  	[smem:$0x7FF] =	sst s4;
	s9 =	sadd.s32 s8, s5;
	s11 =	sadd.s32 s8, s6  }
0x10: {  	v0 =	vimm.s32 $0x0;
	v1 =	vlaneseq.u32;
	_ =	strace $0x80000047;
	s9 =	sshrl.u32 s9, $0x3;
	s31 =	sshrl.u32 s11, $0x3  }
0x11: {  	v3 =	vimm.s32 $0x1;
	v4 =	vimm.s32 $0xFFFFFFFF;
	v2 =	vmul.u32 $0x80, v1;
	s11 =	sadd.s32 $0x600, s2;
	s8 =	sadd.s32 s1, s9;
	s9 =	sadd.s32 s3, s31  }
.LBB2_1:
0x12: {  	s0 =	simm.s32 $0xA040  }
0x13: {  	[tilespmem:s0+$0xFFFFFFC0] =	vst v0  }
0x14: {  	[tilespmem:s0+$0x30] =	vst v0  }
0x15: {  	[tilespmem:s0+$0x20] =	vst v0  }
0x16: {  	[tilespmem:s0+$0x10] =	vst v0  }
0x17: {  	[tilespmem:s0+$0x0] =	vst v0  }
0x18: {  	[tilespmem:s0+$0xFFFFFFF0] =	vst v0  }
0x19: {  	s2 =	simm.s32 $0x0;
	[tilespmem:s0+$0xFFFFFFE0] =	vst v0  }
.LBB2_2:
0x1a: {  	s2 =	sadd.s32 $0x8, s2;
	[tilespmem:s0+$0xFFFFFFD0] =	vst v0;
	s0 =	sadd.s32 $0x80, s0  }
0x1b: {  	[tilespmem:s0+$0xFFFFFFC0] =	vst v0;
	p0 =	slt.u32 s2, $0x12F8  }
0x1c: {  	[tilespmem:s0+$0x30] =	vst v0  }
.Ltmp0:
0x1d: {  	[tilespmem:s0+$0x20] =	vst v0;
	(pc) =	sbr.rel @p0 .LBB2_2-.Ltmp0, $4  }
0x1e: {  	[tilespmem:s0+$0x10] =	vst v0  }
0x1f: {  	[tilespmem:s0+$0x0] =	vst v0  }
0x20: {  	[tilespmem:s0+$0xFFFFFFF0] =	vst v0  }
0x21: {  	[tilespmem:s0+$0xFFFFFFE0] =	vst v0  }
0x22: {  	[tilespmem:s0+$0xFFFFFFD0] =	vst v0  }
0x23: {  	[tilespmem:s24], [sflag:$0x1] =	stream.strided.gather [hbm4b:s8+s13], $0x4C00, s14, s13, $0x38;
	[tilespmem:$0x1D000] =	vst v63  }
0x24: {  	s25 =	simm.s32 $0x0  }
0x25: {  	[tilespmem:s15], [sflag:$0x3] =	stream.linear.gather [hbm4b:s9+s24], $0x400, $0x38;
	[tilespmem:$0x1D000] =	vst v63  }
.LBB2_4:
0x26: {  	s0 =	sshllo.u32 s25, $0x1  }
0x27: {  	s2 =	sand.u32 $0xFF, s0  }
0x28: {  	s2 =	smul.u32 $0xAB, s2;
	_ =	sdelay $0x1  }
0x29: {  	s2 =	sshrl.u32 s2, $0x9  }
0x2a: {  	s26 =	smul.u32 $0x3, s2;
	_ =	sdelay $0x1  }
0x2b: {  	s2 =	sadd.s32 s2, s10;
	s0 =	ssub.s32 s0, s26  }
0x2c: {  	s2 =	smul.u32 $0xC00, s2;
	s0 =	sand.u32 $0xFF, s0  }
0x2d: {  	s0 =	sshll.u32 s0, $0xA  }
0x2e: {  	s0 =	sadd.s32 s0, s2  }
0x2f: {  	s2 =	sadd.s32 s5, s0  }
0x30: {  	s0 =	sadd.s32 s6, s0;
	s2 =	sshrl.u32 s2, $0x3  }
0x31: {  	s0 =	sshrl.u32 s0, $0x3;
	s2 =	sadd.s32 s1, s2  }
0x32: {  	[tilespmem:s16], [sflag:$0x2] =	stream.strided.gather [hbm4b:s2+s13], $0x4C00, s14, s13, $0x38;
	[tilespmem:$0x1D000] =	vst v63  }
0x33: {  	s0 =	sadd.s32 s3, s0  }
0x34: {  	[tilespmem:s17], [sflag:$0x4] =	stream.linear.gather [hbm4b:s0+s24], $0x400, $0x38;
	[tilespmem:$0x1D000] =	vst v63  }
0x35: {  	_ =	swait.ge [sflag:s7], $0x4C00  }
0x36: {  	[sflag:s7] =	ssyncset.done $0x0  }
0x37: {  	[sflag:s7] =	ssyncadd.s32 $0xFFFFB400  }
0x38: {  	_ =	swait.ge [sflag:s18], $0x400  }
0x39: {  	s29 =	simm.s32 $0x0;
	[sflag:s18] =	ssyncset.done $0x0  }
0x3a: {  	s26 =	sshll.u32 s25, $0x1;
	s2 =	simm.s32 $0x0;
	[sflag:s18] =	ssyncadd.s32 $0xFFFFFC00  }
.LBB2_5:
0x3b: {  	s0 =	sshll.u32 s29, $0x7  }
0x3c: {  	s30 =	simm.s32 $0xFFFFFFFE;
	s31 =	simm.s32 $0x0;
	s28 =	smov.u32 s2;
	v5 =	vmov s0  }
.LBB2_6:
0x3d: {  	s0 =	sshra.s32 s28, $0x2  }
0x3e: {  	v6 =	vld [tilespmem:s0+$0x0]  }
0x3f: {  	v7 =	vld [tilespmem:s0+$0x400]  }
0x40: {  	v8 =	vld [tilespmem:s0+$0x800]  }
0x41: {  	v9 =	vld [tilespmem:s0+$0xC00]  }
0x42: {  	v10 =	vld [tilespmem:s0+$0x1000]  }
0x43: {  	v11 =	vld [tilespmem:s0+$0x1400];
	v6 =	vmul.f32 $1.442695020e+00, v6  }
0x44: {  	v12 =	vld [tilespmem:s0+$0x1800];
	v7 =	vmul.f32 $1.442695020e+00, v7  }
0x45: {  	v13 =	vld [tilespmem:s0+$0x1C00];
	(erf) = vpow2.f32 v6;
	v6 =	vmul.f32 $1.442695020e+00, v8  }
0x46: {  	v25 =	vld [tilespmem:s0+$0x2000];
	(erf) = vpow2.f32 v7;
	v7 =	vmul.f32 $1.442695020e+00, v9  }
0x47: {  	v26 =	vld [tilespmem:s0+$0x2400];
	(erf) = vpow2.f32 v6;
	v6 =	vmul.f32 $1.442695020e+00, v10  }
0x48: {  	v27 =	vld [tilespmem:s0+$0x2800];
	(erf) = vpow2.f32 v7;
	v7 =	vmul.f32 $1.442695020e+00, v11  }
0x49: {  	v28 =	vld [tilespmem:s0+$0x2C00];
	(erf) = vpow2.f32 v6;
	v6 =	vmul.f32 $1.442695020e+00, v12  }
0x4a: {  	v29 =	vld [tilespmem:s0+$0x3000];
	(erf) = vpow2.f32 v7;
	v7 =	vmul.f32 $1.442695020e+00, v13  }
0x4b: {  	v30 =	vld [tilespmem:s0+$0x3400];
	(erf) = vpow2.f32 v6;
	v6 =	vmul.f32 $1.442695020e+00, v25  }
0x4c: {  	v31 =	vld [tilespmem:s0+$0x3800];
	(erf) = vpow2.f32 v7;
	v7 =	vmul.f32 $1.442695020e+00, v26  }
0x4d: {  	(erf) = vpow2.f32 v6;
	v6 =	vmul.f32 $1.442695020e+00, v27  }
0x4e: {  	v32 =	vld [tilespmem:s0+$0x3C00];
	v33 =	vpop (erf);
	(erf) = vpow2.f32 v7;
	v7 =	vmul.f32 $1.442695020e+00, v28  }
0x4f: {  	v14 =	vpop (erf);
	(erf) = vpow2.f32 v6;
	v6 =	vmul.f32 $1.442695020e+00, v29  }
0x50: {  	v34 =	vld [tilespmem:s0+$0x4000];
	v15 =	vpop (erf);
	(erf) = vpow2.f32 v7;
	v7 =	vmul.f32 $1.442695020e+00, v30  }
0x51: {  	v36 =	vpop (erf);
	(erf) = vpow2.f32 v6;
	v6 =	vmul.f32 $1.442695020e+00, v31;
	_ =	sdelay $0x1  }
0x52: {  	v35 =	vld [tilespmem:s0+$0x4400];
	v37 =	vpop (erf);
	(erf) = vpow2.f32 v7;
	v7 =	vmul.f32 $1.442695020e+00, v32  }
0x53: {  	v16 =	vpop (erf);
	(erf) = vpow2.f32 v6  }
0x54: {  	v38 =	vld [tilespmem:s0+$0x4800];
	v6 =	vpop (erf);
	(erf) = vpow2.f32 v7;
	v7 =	vmul.f32 $1.442695020e+00, v34;
	_ =	sdelay $0x1  }
0x55: {  	v39 =	vpop (erf)  }
0x56: {  	v12 =	vmul.f32 $1.442695020e+00, v35;
	v17 =	vpop (erf)  }
0x57: {  	(erf) = vpow2.f32 v7;
	v7 =	vpop (erf)  }
0x58: {  	v9 =	vmul.f32 $1.442695020e+00, v38;
	(erf) = vpow2.f32 v12;
	v40 =	vpop (erf)  }
0x59: {  	v18 =	vpop (erf)  }
0x5a: {  	v19 =	vpop (erf);
	(erf) = vpow2.f32 v9  }
0x5b: {  	v20 =	vadd.f32 v14, v33;
	v21 =	vadd.f32 v36, v15;
	v41 =	vpop (erf)  }
0x5c: {  	v23 =	vadd.f32 v16, v37;
	v24 =	vadd.f32 v39, v6;
	v22 =	vpop (erf)  }
0x5d: {  	v26 =	vadd.f32 v7, v17;
	v27 =	vadd.f32 v18, v40;
	v25 =	vpop (erf)  }
0x5e: {  	v28 =	vadd.f32 v41, v19;
	v29 =	vadd.f32 v25, v22  }
0x5f: {  	v20 =	vadd.f32 v21, v20;
	v42 =	vadd.f32 v24, v23  }
0x60: {  	v44 =	vadd.f32 v27, v26;
	v30 =	vpop (erf);
	v45 =	vadd.f32 v29, v28  }
0x61: {  	v20 =	vadd.f32 v42, v20;
	v43 =	vpop (erf)  }
0x62: {  	v46 =	vadd.f32 v43, v30;
	v47 =	vadd.f32 v45, v44  }
0x63: {  	v48 =	vpop (erf)  }
0x64: {  	v49 =	vadd.f32 v48, v46;
	v20 =	vadd.f32 v47, v20;
	_ =	sdelay $0x1  }
0x65: {  	v20 =	vadd.f32 v49, v20;
	_ =	sdelay $0x1  }
0x66: {  	(erf) = vrcp.f32 v20;
	_ =	sdelay $0x8  }
0x67: {  	v20 =	vpop (erf)  }
0x68: {  	v20 =	vmul.f32 $1.275000000e+02, v20;
	_ =	sdelay $0x1  }
0x69: {  	v14 =	vmul.f32 v20, v14;
	v10 =	vmul.f32 v20, v33  }
0x6a: {  	v15 =	vmul.f32 v20, v15;
	v13 =	vmul.f32 v20, v36  }
0x6b: {  	v8 =	vmul.f32 v20, v37;
	v16 =	vmul.f32 v20, v16  }
0x6c: {  	v6 =	vmul.f32 v20, v6;
	v11 =	vmul.f32 v20, v39  }
0x6d: {  	v17 =	vmul.f32 v20, v17;
	v7 =	vmul.f32 v20, v7  }
0x6e: {  	v12 =	vmul.f32 v20, v40;
	v18 =	vmul.f32 v20, v18  }
0x6f: {  	v19 =	vmul.f32 v20, v19;
	v9 =	vmul.f32 v20, v41;
	v14 =	vadd.f32 $2.048000000e+03, v14  }
0x70: {  	v54 =	vmul.f32 v20, v22;
	v15 =	vadd.f32 $4.096000000e+03, v15;
	v13 =	vadd.f32 $6.144000000e+03, v13  }
0x71: {  	v55 =	vmul.f32 v20, v25;
	v8 =	vadd.f32 $8.192000000e+03, v8;
	v16 =	vadd.f32 $1.024000000e+04, v16  }
0x72: {  	v58 =	vmul.f32 v20, v30;
	v6 =	vadd.f32 $1.228800000e+04, v6;
	v11 =	vadd.f32 $1.433600000e+04, v11  }
0x73: {  	v59 =	vmul.f32 v20, v43;
	v17 =	vadd.f32 $1.638400000e+04, v17;
	v7 =	vadd.f32 $1.843200000e+04, v7  }
0x74: {  	v61 =	vmul.f32 v20, v48;
	v12 =	vadd.f32 $2.048000000e+04, v12;
	v18 =	vadd.f32 $2.252800000e+04, v18  }
0x75: {  	v10 =	vtrunc.f32 v10;
	v19 =	vadd.f32 $2.457600000e+04, v19;
	v9 =	vadd.f32 $2.662400000e+04, v9  }
0x76: {  	v57 =	vadd.f32 $2.867200000e+04, v54;
	v10 =	vcvt.f32.s32 v10;
	v14 =	vtrunc.f32 v14  }
0x77: {  	v60 =	vadd.f32 $3.276800000e+04, v58;
	v15 =	vtrunc.f32 v15;
	v13 =	vtrunc.f32 v13  }
0x78: {  	v63 =	vadd.f32 $3.481600000e+04, v59;
	v8 =	vtrunc.f32 v8;
	v14 =	vcvt.f32.s32 v14  }
0x79: {  	v16 =	vtrunc.f32 v16;
	v10 =	vadd.s32 v2, v10;
	v15 =	vcvt.f32.s32 v15  }
0x7a: {  	v6 =	vtrunc.f32 v6;
	v13 =	vcvt.f32.s32 v13;
	v14 =	vadd.s32 v2, v14  }
0x7b: {  	v11 =	vtrunc.f32 v11;
	v8 =	vcvt.f32.s32 v8;
	v15 =	vadd.s32 v2, v15  }
0x7c: {  	v17 =	vtrunc.f32 v17;
	v16 =	vcvt.f32.s32 v16;
	v13 =	vadd.s32 v2, v13  }
0x7d: {  	v50 =	vld [tilespmem:s0+$0x9800];
	v7 =	vtrunc.f32 v7;
	v6 =	vcvt.f32.s32 v6;
	v8 =	vadd.s32 v2, v8  }
0x7e: {  	v12 =	vtrunc.f32 v12;
	v11 =	vcvt.f32.s32 v11;
	v16 =	vadd.s32 v2, v16;
	[tilespmem:v10+s19+$0x0] =	vst.idx.add.s32.msk $0xffff, v3  }
0x7f: {  	v51 =	vtrunc.f32 v18;
	v17 =	vcvt.f32.s32 v17;
	v6 =	vadd.s32 v2, v6;
	[tilespmem:v14+s19+$0x0] =	vst.idx.add.s32.msk $0xffff, v3  }
0x80: {  	v52 =	vtrunc.f32 v19;
	v7 =	vcvt.f32.s32 v7;
	v11 =	vadd.s32 v2, v11;
	[tilespmem:v15+s19+$0x0] =	vst.idx.add.s32.msk $0xffff, v3  }
0x81: {  	v9 =	vtrunc.f32 v9;
	v12 =	vcvt.f32.s32 v12;
	v17 =	vadd.s32 v2, v17;
	[tilespmem:v13+s19+$0x0] =	vst.idx.add.s32.msk $0xffff, v3  }
0x82: {  	v53 =	vcvt.f32.s32 v52;
	v7 =	vadd.s32 v2, v7;
	v10 =	vcvt.f32.s32 v51;
	[tilespmem:v8+s19+$0x0] =	vst.idx.add.s32.msk $0xffff, v3  }
0x83: {  	v9 =	vcvt.f32.s32 v9;
	v12 =	vadd.s32 v2, v12;
	v13 =	vadd.f32 $3.072000000e+04, v55;
	[tilespmem:v16+s19+$0x0] =	vst.idx.add.s32.msk $0xffff, v3  }
0x84: {  	v56 =	vadd.s32 v2, v53;
	v10 =	vadd.s32 v2, v10;
	[tilespmem:v6+s19+$0x0] =	vst.idx.add.s32.msk $0xffff, v3;
	v6 =	vtrunc.f32 v57  }
0x85: {  	v9 =	vadd.s32 v2, v9;
	v62 =	vtrunc.f32 v13;
	[tilespmem:v11+s19+$0x0] =	vst.idx.add.s32.msk $0xffff, v3;
	v6 =	vcvt.f32.s32 v6  }
0x86: {  	v14 =	vtrunc.f32 v60;
	v15 =	vadd.f32 $3.686400000e+04, v61;
	v11 =	vcvt.f32.s32 v62;
	[tilespmem:v17+s19+$0x0] =	vst.idx.add.s32.msk $0xffff, v3  }
0x87: {  	v13 =	vtrunc.f32 v63;
	[tilespmem:v7+s19+$0x0] =	vst.idx.add.s32.msk $0xffff, v3;
	v6 =	vadd.s32 v2, v6;
	v7 =	vcvt.f32.s32 v14  }
0x88: {  	v18 =	vtrunc.f32 v15;
	v17 =	vcvt.f32.s32 v13;
	v11 =	vadd.s32 v2, v11;
	[tilespmem:v12+s19+$0x0] =	vst.idx.add.s32.msk $0xffff, v3  }
0x89: {  	v22 =	vshll.u32 v50, $0xA;
	v19 =	vcvt.f32.s32 v18;
	[tilespmem:v10+s19+$0x0] =	vst.idx.add.s32.msk $0xffff, v3;
	v7 =	vadd.s32 v2, v7  }
0x8a: {  	v24 =	vadd.s32 s31, v22;
	v23 =	vadd.s32 v2, v17;
	[tilespmem:v56+s19+$0x0] =	vst.idx.add.s32.msk $0xffff, v3  }
0x8b: {  	v26 =	vadd.s32 v5, v24;
	v25 =	vadd.s32 v2, v19;
	[tilespmem:v9+s19+$0x0] =	vst.idx.add.s32.msk $0xffff, v3  }
0x8c: {  	[tilespmem:v6+s19+$0x0] =	vst.idx.add.s32.msk $0xffff, v3;
	v6 =	vadd.s32 v1, v26  }
0x8d: {  	[tilespmem:v11+s19+$0x0] =	vst.idx.add.s32.msk $0xffff, v3  }
0x8e: {  	[tilespmem:v7+s19+$0x0] =	vst.idx.add.s32.msk $0xffff, v3  }
0x8f: {  	[tilespmem:v23+s19+$0x0] =	vst.idx.add.s32.msk $0xffff, v3  }
0x90: {  	[tilespmem:v25+s19+$0x0] =	vst.idx.add.s32.msk $0xffff, v3  }
0x91: {  	v6 =	vld.idx.msk [tilespmem:v6+s4+$0x0], $0xffff;
	_ =	sdelay $0x4  }
0x92: {  	v6 =	vmul.f32 $1.442695020e+00, v6;
	_ =	sdelay $0x1  }
0x93: {  	(erf) = vpow2.f32 v6;
	_ =	sdelay $0x8  }
0x94: {  	v6 =	vpop (erf)  }
0x95: {  	v6 =	vmul.f32 v6, v20;
	_ =	sdelay $0x1  }
0x96: {  	v7 =	vsub.f32 $1.275000000e+02, v6;
	_ =	sdelay $0x1  }
0x97: {  	v7 =	vmax.f32 v7, $0.0e+00  }
0x98: {  	v7 =	vadd.f32 $3.891200000e+04, v7;
	_ =	sdelay $0x1  }
0x99: {  	v7 =	vtrunc.f32 v7  }
0x9a: {  	v27 =	vshll.u32 v50, $0xB;
	v6 =	vtrunc.f32 v6;
	v7 =	vcvt.f32.s32 v7  }
0x9b: {  	v8 =	vor.u32 v2, v27;
	v6 =	vcvt.f32.s32 v6  }
0x9c: {  	v7 =	vadd.s32 v7, v8  }
0x9d: {  	v6 =	vadd.s32 v6, v8;
	_ =	sdelay $0x3  }
0x9e: {  	[tilespmem:v7+s19+$0x0] =	vst.idx.add.s32.msk $0xffff, v3  }
0x9f: {  	[tilespmem:v6+s19+$0x0] =	vst.idx.add.s32.msk $0xffff, v4  }
0xa0: {  	v6 =	vld [tilespmem:s0+$0x10]  }
0xa1: {  	v7 =	vld [tilespmem:s0+$0x410]  }
0xa2: {  	v28 =	vld [tilespmem:s0+$0x810]  }
0xa3: {  	v9 =	vld [tilespmem:s0+$0xC10]  }
0xa4: {  	v29 =	vld [tilespmem:s0+$0x1010]  }
0xa5: {  	v11 =	vld [tilespmem:s0+$0x1410];
	v6 =	vmul.f32 $1.442695020e+00, v6  }
0xa6: {  	v30 =	vld [tilespmem:s0+$0x1810];
	v7 =	vmul.f32 $1.442695020e+00, v7  }
0xa7: {  	v31 =	vld [tilespmem:s0+$0x1C10];
	(erf) = vpow2.f32 v6;
	v6 =	vmul.f32 $1.442695020e+00, v28  }
0xa8: {  	v32 =	vld [tilespmem:s0+$0x2010];
	(erf) = vpow2.f32 v7;
	v7 =	vmul.f32 $1.442695020e+00, v9  }
0xa9: {  	v33 =	vld [tilespmem:s0+$0x2410];
	(erf) = vpow2.f32 v6;
	v6 =	vmul.f32 $1.442695020e+00, v29  }
0xaa: {  	v34 =	vld [tilespmem:s0+$0x2810];
	(erf) = vpow2.f32 v7;
	v7 =	vmul.f32 $1.442695020e+00, v11  }
0xab: {  	v35 =	vld [tilespmem:s0+$0x2C10];
	(erf) = vpow2.f32 v6;
	v6 =	vmul.f32 $1.442695020e+00, v30  }
0xac: {  	v36 =	vld [tilespmem:s0+$0x3010];
	(erf) = vpow2.f32 v7;
	v7 =	vmul.f32 $1.442695020e+00, v31  }
0xad: {  	v37 =	vld [tilespmem:s0+$0x3410];
	(erf) = vpow2.f32 v6;
	v6 =	vmul.f32 $1.442695020e+00, v32  }
0xae: {  	v38 =	vld [tilespmem:s0+$0x3810];
	(erf) = vpow2.f32 v7;
	v7 =	vmul.f32 $1.442695020e+00, v33  }
0xaf: {  	(erf) = vpow2.f32 v6;
	v6 =	vmul.f32 $1.442695020e+00, v34  }
0xb0: {  	v39 =	vld [tilespmem:s0+$0x3C10];
	v10 =	vpop (erf);
	(erf) = vpow2.f32 v7;
	v7 =	vmul.f32 $1.442695020e+00, v35  }
0xb1: {  	v14 =	vpop (erf);
	(erf) = vpow2.f32 v6;
	v6 =	vmul.f32 $1.442695020e+00, v36  }
0xb2: {  	v40 =	vld [tilespmem:s0+$0x4010];
	v42 =	vpop (erf);
	(erf) = vpow2.f32 v7;
	v7 =	vmul.f32 $1.442695020e+00, v37  }
0xb3: {  	v43 =	vpop (erf);
	(erf) = vpow2.f32 v6;
	v6 =	vmul.f32 $1.442695020e+00, v38;
	_ =	sdelay $0x1  }
0xb4: {  	v41 =	vld [tilespmem:s0+$0x4410];
	v44 =	vpop (erf);
	(erf) = vpow2.f32 v7;
	v7 =	vmul.f32 $1.442695020e+00, v39  }
0xb5: {  	v46 =	vpop (erf);
	(erf) = vpow2.f32 v6  }
0xb6: {  	v45 =	vld [tilespmem:s0+$0x4810];
	v6 =	vpop (erf);
	(erf) = vpow2.f32 v7;
	v7 =	vmul.f32 $1.442695020e+00, v40;
	_ =	sdelay $0x1  }
0xb7: {  	v47 =	vpop (erf)  }
0xb8: {  	v12 =	vmul.f32 $1.442695020e+00, v41;
	v48 =	vpop (erf)  }
0xb9: {  	(erf) = vpow2.f32 v7;
	v7 =	vpop (erf)  }
0xba: {  	v9 =	vmul.f32 $1.442695020e+00, v45;
	(erf) = vpow2.f32 v12;
	v49 =	vpop (erf)  }
0xbb: {  	v50 =	vpop (erf)  }
0xbc: {  	(erf) = vpow2.f32 v9;
	v51 =	vpop (erf)  }
0xbd: {  	v53 =	vadd.f32 v14, v10;
	v54 =	vadd.f32 v43, v42;
	v52 =	vpop (erf)  }
0xbe: {  	v56 =	vadd.f32 v46, v44;
	v57 =	vadd.f32 v47, v6;
	v55 =	vpop (erf)  }
0xbf: {  	v59 =	vadd.f32 v7, v48;
	v60 =	vadd.f32 v50, v49;
	v58 =	vpop (erf)  }
0xc0: {  	v61 =	vadd.f32 v52, v51;
	v62 =	vadd.f32 v58, v55  }
0xc1: {  	v20 =	vadd.f32 v54, v53;
	v33 =	vadd.f32 v57, v56  }
0xc2: {  	v35 =	vadd.f32 v60, v59;
	v63 =	vpop (erf);
	v36 =	vadd.f32 v62, v61  }
0xc3: {  	v20 =	vadd.f32 v33, v20;
	v34 =	vpop (erf)  }
0xc4: {  	v37 =	vadd.f32 v34, v63;
	v38 =	vadd.f32 v36, v35  }
0xc5: {  	v39 =	vpop (erf)  }
0xc6: {  	v40 =	vadd.f32 v39, v37;
	v20 =	vadd.f32 v38, v20;
	_ =	sdelay $0x1  }
0xc7: {  	v20 =	vadd.f32 v40, v20;
	_ =	sdelay $0x1  }
0xc8: {  	(erf) = vrcp.f32 v20;
	_ =	sdelay $0x8  }
0xc9: {  	v20 =	vpop (erf)  }
0xca: {  	v20 =	vmul.f32 $1.275000000e+02, v20;
	_ =	sdelay $0x1  }
0xcb: {  	v14 =	vmul.f32 v20, v14;
	v10 =	vmul.f32 v20, v10  }
0xcc: {  	v15 =	vmul.f32 v20, v42;
	v13 =	vmul.f32 v20, v43  }
0xcd: {  	v8 =	vmul.f32 v20, v44;
	v16 =	vmul.f32 v20, v46  }
0xce: {  	v6 =	vmul.f32 v20, v6;
	v11 =	vmul.f32 v20, v47  }
0xcf: {  	v17 =	vmul.f32 v20, v48;
	v7 =	vmul.f32 v20, v7  }
0xd0: {  	v12 =	vmul.f32 v20, v49;
	v18 =	vmul.f32 v20, v50  }
0xd1: {  	v19 =	vmul.f32 v20, v51;
	v9 =	vmul.f32 v20, v52;
	v14 =	vadd.f32 $2.048000000e+03, v14  }
0xd2: {  	v45 =	vmul.f32 v20, v55;
	v15 =	vadd.f32 $4.096000000e+03, v15;
	v13 =	vadd.f32 $6.144000000e+03, v13  }
0xd3: {  	v46 =	vmul.f32 v20, v58;
	v8 =	vadd.f32 $8.192000000e+03, v8;
	v16 =	vadd.f32 $1.024000000e+04, v16  }
0xd4: {  	v49 =	vmul.f32 v20, v63;
	v6 =	vadd.f32 $1.228800000e+04, v6;
	v11 =	vadd.f32 $1.433600000e+04, v11  }
0xd5: {  	v50 =	vmul.f32 v20, v34;
	v17 =	vadd.f32 $1.638400000e+04, v17;
	v7 =	vadd.f32 $1.843200000e+04, v7  }
0xd6: {  	v52 =	vmul.f32 v20, v39;
	v12 =	vadd.f32 $2.048000000e+04, v12;
	v18 =	vadd.f32 $2.252800000e+04, v18  }
0xd7: {  	v10 =	vtrunc.f32 v10;
	v19 =	vadd.f32 $2.457600000e+04, v19;
	v9 =	vadd.f32 $2.662400000e+04, v9  }
0xd8: {  	v48 =	vadd.f32 $2.867200000e+04, v45;
	v10 =	vcvt.f32.s32 v10;
	v14 =	vtrunc.f32 v14  }
0xd9: {  	v51 =	vadd.f32 $3.276800000e+04, v49;
	v15 =	vtrunc.f32 v15;
	v13 =	vtrunc.f32 v13  }
0xda: {  	v54 =	vadd.f32 $3.481600000e+04, v50;
	v8 =	vtrunc.f32 v8;
	v14 =	vcvt.f32.s32 v14  }
0xdb: {  	v16 =	vtrunc.f32 v16;
	v10 =	vadd.s32 v2, v10;
	v15 =	vcvt.f32.s32 v15  }
0xdc: {  	v6 =	vtrunc.f32 v6;
	v13 =	vcvt.f32.s32 v13;
	v14 =	vadd.s32 v2, v14  }
0xdd: {  	v11 =	vtrunc.f32 v11;
	v8 =	vcvt.f32.s32 v8;
	v15 =	vadd.s32 v2, v15  }
0xde: {  	v17 =	vtrunc.f32 v17;
	v16 =	vcvt.f32.s32 v16;
	v13 =	vadd.s32 v2, v13  }
0xdf: {  	v41 =	vld [tilespmem:s0+$0x9810];
	v7 =	vtrunc.f32 v7;
	v6 =	vcvt.f32.s32 v6;
	v8 =	vadd.s32 v2, v8  }
0xe0: {  	v12 =	vtrunc.f32 v12;
	v11 =	vcvt.f32.s32 v11;
	v16 =	vadd.s32 v2, v16;
	[tilespmem:v10+s19+$0x0] =	vst.idx.add.s32.msk $0xffff, v3  }
0xe1: {  	v42 =	vtrunc.f32 v18;
	v17 =	vcvt.f32.s32 v17;
	v6 =	vadd.s32 v2, v6;
	[tilespmem:v14+s19+$0x0] =	vst.idx.add.s32.msk $0xffff, v3  }
0xe2: {  	v43 =	vtrunc.f32 v19;
	v7 =	vcvt.f32.s32 v7;
	v11 =	vadd.s32 v2, v11;
	[tilespmem:v15+s19+$0x0] =	vst.idx.add.s32.msk $0xffff, v3  }
0xe3: {  	v9 =	vtrunc.f32 v9;
	v12 =	vcvt.f32.s32 v12;
	v17 =	vadd.s32 v2, v17;
	[tilespmem:v13+s19+$0x0] =	vst.idx.add.s32.msk $0xffff, v3  }
0xe4: {  	v44 =	vcvt.f32.s32 v43;
	v7 =	vadd.s32 v2, v7;
	v10 =	vcvt.f32.s32 v42;
	[tilespmem:v8+s19+$0x0] =	vst.idx.add.s32.msk $0xffff, v3  }
0xe5: {  	v9 =	vcvt.f32.s32 v9;
	v12 =	vadd.s32 v2, v12;
	v13 =	vadd.f32 $3.072000000e+04, v46;
	[tilespmem:v16+s19+$0x0] =	vst.idx.add.s32.msk $0xffff, v3  }
0xe6: {  	v47 =	vadd.s32 v2, v44;
	v10 =	vadd.s32 v2, v10;
	[tilespmem:v6+s19+$0x0] =	vst.idx.add.s32.msk $0xffff, v3;
	v6 =	vtrunc.f32 v48  }
0xe7: {  	v9 =	vadd.s32 v2, v9;
	v53 =	vtrunc.f32 v13;
	[tilespmem:v11+s19+$0x0] =	vst.idx.add.s32.msk $0xffff, v3;
	v6 =	vcvt.f32.s32 v6  }
0xe8: {  	v14 =	vtrunc.f32 v51;
	v15 =	vadd.f32 $3.686400000e+04, v52;
	v11 =	vcvt.f32.s32 v53;
	[tilespmem:v17+s19+$0x0] =	vst.idx.add.s32.msk $0xffff, v3  }
0xe9: {  	v13 =	vtrunc.f32 v54;
	[tilespmem:v7+s19+$0x0] =	vst.idx.add.s32.msk $0xffff, v3;
	v6 =	vadd.s32 v2, v6;
	v7 =	vcvt.f32.s32 v14  }
0xea: {  	v56 =	vtrunc.f32 v15;
	v55 =	vcvt.f32.s32 v13;
	v11 =	vadd.s32 v2, v11;
	[tilespmem:v12+s19+$0x0] =	vst.idx.add.s32.msk $0xffff, v3  }
0xeb: {  	s0 =	sadd.s32 $0x10, s31;
	v58 =	vshll.u32 v41, $0xA;
	v57 =	vcvt.f32.s32 v56;
	[tilespmem:v10+s19+$0x0] =	vst.idx.add.s32.msk $0xffff, v3;
	v7 =	vadd.s32 v2, v7  }
0xec: {  	v60 =	vadd.s32 s0, v58;
	v59 =	vadd.s32 v2, v55;
	[tilespmem:v47+s19+$0x0] =	vst.idx.add.s32.msk $0xffff, v3  }
0xed: {  	v62 =	vadd.s32 v1, v60;
	v61 =	vadd.s32 v2, v57;
	[tilespmem:v9+s19+$0x0] =	vst.idx.add.s32.msk $0xffff, v3  }
0xee: {  	[tilespmem:v6+s19+$0x0] =	vst.idx.add.s32.msk $0xffff, v3;
	v6 =	vor.u32 v5, v62  }
0xef: {  	[tilespmem:v11+s19+$0x0] =	vst.idx.add.s32.msk $0xffff, v3  }
0xf0: {  	[tilespmem:v7+s19+$0x0] =	vst.idx.add.s32.msk $0xffff, v3  }
0xf1: {  	[tilespmem:v59+s19+$0x0] =	vst.idx.add.s32.msk $0xffff, v3  }
0xf2: {  	[tilespmem:v61+s19+$0x0] =	vst.idx.add.s32.msk $0xffff, v3  }
0xf3: {  	v6 =	vld.idx.msk [tilespmem:v6+s4+$0x0], $0xffff;
	_ =	sdelay $0x4  }
0xf4: {  	v6 =	vmul.f32 $1.442695020e+00, v6;
	_ =	sdelay $0x1  }
0xf5: {  	(erf) = vpow2.f32 v6;
	_ =	sdelay $0x8  }
0xf6: {  	v6 =	vpop (erf)  }
0xf7: {  	v6 =	vmul.f32 v6, v20;
	_ =	sdelay $0x1  }
0xf8: {  	v7 =	vsub.f32 $1.275000000e+02, v6;
	_ =	sdelay $0x1  }
0xf9: {  	v7 =	vmax.f32 v7, $0.0e+00  }
0xfa: {  	v7 =	vadd.f32 $3.891200000e+04, v7;
	_ =	sdelay $0x1  }
0xfb: {  	v7 =	vtrunc.f32 v7  }
0xfc: {  	v63 =	vshll.u32 v41, $0xB;
	v6 =	vtrunc.f32 v6;
	v7 =	vcvt.f32.s32 v7  }
0xfd: {  	v8 =	vor.u32 v2, v63;
	v6 =	vcvt.f32.s32 v6  }
0xfe: {  	s30 =	sadd.s32 $0x2, s30;
	v7 =	vadd.s32 v7, v8  }
0xff: {  	p0 =	slt.u32 s30, $0x6;
	v6 =	vadd.s32 v6, v8  }
.Ltmp1:
0x100: {  	_ = 	snop;
	(pc) =	sbr.rel @p0 .LBB2_6-.Ltmp1, $3  }
0x101: {  	_ =	sdelay $0x1  }
0x102: {  	[tilespmem:v7+s19+$0x0] =	vst.idx.add.s32.msk $0xffff, v3  }
0x103: {  	s28 =	sadd.s32 $0x80, s28;
	s31 =	sadd.s32 $0x20, s31;
	[tilespmem:v6+s19+$0x0] =	vst.idx.add.s32.msk $0xffff, v4  }
0x104: {  	s29 =	sadd.s32 $0x1, s29  }
0x105: {  	p0 =	sne.s32 s29, $0x8  }
.Ltmp2:
0x106: {  	_ = 	snop;
	(pc) =	sbr.rel @p0 .LBB2_5-.Ltmp2, $2  }
0x107: {  	_ =	sdelay $0x2  }
0x108: {  	s2 =	sadd.s32 $0x200, s2  }
0x109: {  	p0 =	seq.s32 s25, $0x8  }
0x10a: {  	s0 =	sadd.s32 @!p0 $0x2, s26  }
0x10b: {  	s2 =	smulhi.u32 @!p0 $0x55555556, s0;
	_ =	sdelay $0x1  }
0x10c: {  	s26 =	smul.u32 @!p0 $0x3, s2  }
0x10d: {  	s2 =	sadd.s32 @!p0 s10, s2  }
0x10e: {  	s2 =	smul.u32 @!p0 $0xC00, s2;
	s0 =	ssub.s32 @!p0 s0, s26  }
0x10f: {  	s0 =	sshll.u32 @!p0 s0, $0xA  }
0x110: {  	s0 =	sadd.s32 @!p0 s0, s2  }
0x111: {  	s28 =	simm.s32 @!p0 $0x24000;
	s2 =	sadd.s32 @!p0 s5, s0  }
0x112: {  	s29 =	simm.s32 @!p0 $0x0;
	s0 =	sadd.s32 @!p0 s6, s0;
	s2 =	sshrl.u32 @!p0 s2, $0x3  }
0x113: {  	s26 =	simm.s32 @!p0 $0x400;
	s0 =	sshrl.u32 @!p0 s0, $0x3;
	s2 =	sadd.s32 @!p0 s1, s2  }
0x114: {  	[tilespmem:s29], [sflag:$0x1] =	stream.strided.gather @!p0 [hbm4b:s2+s26], $0x4C00, s28, s26, $0x38;
	[tilespmem:$0x1D000] =	vst v63  }
0x115: {  	s0 =	sadd.s32 @!p0 s3, s0;
	s2 =	simm.s32 @!p0 $0x9800  }
0x116: {  	[tilespmem:s2], [sflag:$0x3] =	stream.linear.gather @!p0 [hbm4b:s0+s29], $0x400, $0x38;
	[tilespmem:$0x1D000] =	vst v63  }
0x117: {  	_ =	swait.ge [sflag:s20], $0x4C00  }
0x118: {  	[sflag:s20] =	ssyncset.done $0x0  }
0x119: {  	[sflag:s20] =	ssyncadd.s32 $0xFFFFB400  }
0x11a: {  	_ =	swait.ge [sflag:s21], $0x400  }
0x11b: {  	[sflag:s21] =	ssyncset.done $0x0  }
0x11c: {  	s26 =	simm.s32 $0x0;
	s28 =	simm.s32 $0x0;
	[sflag:s21] =	ssyncadd.s32 $0xFFFFFC00  }
.LBB2_9:
0x11d: {  	s0 =	sshll.u32 s28, $0x7  }
0x11e: {  	s29 =	simm.s32 $0xFFFFFFFE;
	s30 =	smov.u32 s26;
	s2 =	simm.s32 $0x0;
	v5 =	vmov s0  }
.LBB2_10:
0x11f: {  	s0 =	sshra.s32 s30, $0x2  }
0x120: {  	v6 =	vld [tilespmem:s0+$0x4C00]  }
0x121: {  	v7 =	vld [tilespmem:s0+$0x5000]  }
0x122: {  	v8 =	vld [tilespmem:s0+$0x5400]  }
0x123: {  	v9 =	vld [tilespmem:s0+$0x5800]  }
0x124: {  	v10 =	vld [tilespmem:s0+$0x5C00]  }
0x125: {  	v11 =	vld [tilespmem:s0+$0x6000];
	v6 =	vmul.f32 $1.442695020e+00, v6  }
0x126: {  	v12 =	vld [tilespmem:s0+$0x6400];
	v7 =	vmul.f32 $1.442695020e+00, v7  }
0x127: {  	v13 =	vld [tilespmem:s0+$0x6800];
	(erf) = vpow2.f32 v6;
	v6 =	vmul.f32 $1.442695020e+00, v8  }
0x128: {  	v25 =	vld [tilespmem:s0+$0x6C00];
	(erf) = vpow2.f32 v7;
	v7 =	vmul.f32 $1.442695020e+00, v9  }
0x129: {  	v26 =	vld [tilespmem:s0+$0x7000];
	(erf) = vpow2.f32 v6;
	v6 =	vmul.f32 $1.442695020e+00, v10  }
0x12a: {  	v27 =	vld [tilespmem:s0+$0x7400];
	(erf) = vpow2.f32 v7;
	v7 =	vmul.f32 $1.442695020e+00, v11  }
0x12b: {  	v28 =	vld [tilespmem:s0+$0x7800];
	(erf) = vpow2.f32 v6;
	v6 =	vmul.f32 $1.442695020e+00, v12  }
0x12c: {  	v29 =	vld [tilespmem:s0+$0x7C00];
	(erf) = vpow2.f32 v7;
	v7 =	vmul.f32 $1.442695020e+00, v13  }
0x12d: {  	v30 =	vld [tilespmem:s0+$0x8000];
	(erf) = vpow2.f32 v6;
	v6 =	vmul.f32 $1.442695020e+00, v25  }
0x12e: {  	v31 =	vld [tilespmem:s0+$0x8400];
	(erf) = vpow2.f32 v7;
	v7 =	vmul.f32 $1.442695020e+00, v26  }
0x12f: {  	(erf) = vpow2.f32 v6;
	v6 =	vmul.f32 $1.442695020e+00, v27  }
0x130: {  	v32 =	vld [tilespmem:s0+$0x8800];
	v33 =	vpop (erf);
	(erf) = vpow2.f32 v7;
	v7 =	vmul.f32 $1.442695020e+00, v28  }
0x131: {  	v14 =	vpop (erf);
	(erf) = vpow2.f32 v6;
	v6 =	vmul.f32 $1.442695020e+00, v29  }
0x132: {  	v34 =	vld [tilespmem:s0+$0x8C00];
	v15 =	vpop (erf);
	(erf) = vpow2.f32 v7;
	v7 =	vmul.f32 $1.442695020e+00, v30  }
0x133: {  	v36 =	vpop (erf);
	(erf) = vpow2.f32 v6;
	v6 =	vmul.f32 $1.442695020e+00, v31;
	_ =	sdelay $0x1  }
0x134: {  	v35 =	vld [tilespmem:s0+$0x9000];
	v37 =	vpop (erf);
	(erf) = vpow2.f32 v7;
	v7 =	vmul.f32 $1.442695020e+00, v32  }
0x135: {  	v16 =	vpop (erf);
	(erf) = vpow2.f32 v6  }
0x136: {  	v38 =	vld [tilespmem:s0+$0x9400];
	v6 =	vpop (erf);
	(erf) = vpow2.f32 v7;
	v7 =	vmul.f32 $1.442695020e+00, v34;
	_ =	sdelay $0x1  }
0x137: {  	v39 =	vpop (erf)  }
0x138: {  	v12 =	vmul.f32 $1.442695020e+00, v35;
	v17 =	vpop (erf)  }
0x139: {  	(erf) = vpow2.f32 v7;
	v7 =	vpop (erf)  }
0x13a: {  	v9 =	vmul.f32 $1.442695020e+00, v38;
	(erf) = vpow2.f32 v12;
	v40 =	vpop (erf)  }
0x13b: {  	v18 =	vpop (erf)  }
0x13c: {  	v19 =	vpop (erf);
	(erf) = vpow2.f32 v9  }
0x13d: {  	v20 =	vadd.f32 v14, v33;
	v21 =	vadd.f32 v36, v15;
	v41 =	vpop (erf)  }
0x13e: {  	v23 =	vadd.f32 v16, v37;
	v24 =	vadd.f32 v39, v6;
	v22 =	vpop (erf)  }
0x13f: {  	v26 =	vadd.f32 v7, v17;
	v27 =	vadd.f32 v18, v40;
	v25 =	vpop (erf)  }
0x140: {  	v28 =	vadd.f32 v41, v19;
	v29 =	vadd.f32 v25, v22  }
0x141: {  	v20 =	vadd.f32 v21, v20;
	v42 =	vadd.f32 v24, v23  }
0x142: {  	v44 =	vadd.f32 v27, v26;
	v30 =	vpop (erf);
	v45 =	vadd.f32 v29, v28  }
0x143: {  	v20 =	vadd.f32 v42, v20;
	v43 =	vpop (erf)  }
0x144: {  	v46 =	vadd.f32 v43, v30;
	v47 =	vadd.f32 v45, v44  }
0x145: {  	v48 =	vpop (erf)  }
0x146: {  	v49 =	vadd.f32 v48, v46;
	v20 =	vadd.f32 v47, v20;
	_ =	sdelay $0x1  }
0x147: {  	v20 =	vadd.f32 v49, v20;
	_ =	sdelay $0x1  }
0x148: {  	(erf) = vrcp.f32 v20;
	_ =	sdelay $0x8  }
0x149: {  	v20 =	vpop (erf)  }
0x14a: {  	v20 =	vmul.f32 $1.275000000e+02, v20;
	_ =	sdelay $0x1  }
0x14b: {  	v14 =	vmul.f32 v20, v14;
	v10 =	vmul.f32 v20, v33  }
0x14c: {  	v15 =	vmul.f32 v20, v15;
	v13 =	vmul.f32 v20, v36  }
0x14d: {  	v8 =	vmul.f32 v20, v37;
	v16 =	vmul.f32 v20, v16  }
0x14e: {  	v6 =	vmul.f32 v20, v6;
	v11 =	vmul.f32 v20, v39  }
0x14f: {  	v17 =	vmul.f32 v20, v17;
	v7 =	vmul.f32 v20, v7  }
0x150: {  	v12 =	vmul.f32 v20, v40;
	v18 =	vmul.f32 v20, v18  }
0x151: {  	v19 =	vmul.f32 v20, v19;
	v9 =	vmul.f32 v20, v41;
	v14 =	vadd.f32 $2.048000000e+03, v14  }
0x152: {  	v54 =	vmul.f32 v20, v22;
	v15 =	vadd.f32 $4.096000000e+03, v15;
	v13 =	vadd.f32 $6.144000000e+03, v13  }
0x153: {  	v55 =	vmul.f32 v20, v25;
	v8 =	vadd.f32 $8.192000000e+03, v8;
	v16 =	vadd.f32 $1.024000000e+04, v16  }
0x154: {  	v58 =	vmul.f32 v20, v30;
	v6 =	vadd.f32 $1.228800000e+04, v6;
	v11 =	vadd.f32 $1.433600000e+04, v11  }
0x155: {  	v59 =	vmul.f32 v20, v43;
	v17 =	vadd.f32 $1.638400000e+04, v17;
	v7 =	vadd.f32 $1.843200000e+04, v7  }
0x156: {  	v61 =	vmul.f32 v20, v48;
	v12 =	vadd.f32 $2.048000000e+04, v12;
	v18 =	vadd.f32 $2.252800000e+04, v18  }
0x157: {  	v10 =	vtrunc.f32 v10;
	v19 =	vadd.f32 $2.457600000e+04, v19;
	v9 =	vadd.f32 $2.662400000e+04, v9  }
0x158: {  	v57 =	vadd.f32 $2.867200000e+04, v54;
	v10 =	vcvt.f32.s32 v10;
	v14 =	vtrunc.f32 v14  }
0x159: {  	v60 =	vadd.f32 $3.276800000e+04, v58;
	v15 =	vtrunc.f32 v15;
	v13 =	vtrunc.f32 v13  }
0x15a: {  	v63 =	vadd.f32 $3.481600000e+04, v59;
	v8 =	vtrunc.f32 v8;
	v14 =	vcvt.f32.s32 v14  }
0x15b: {  	v16 =	vtrunc.f32 v16;
	v10 =	vadd.s32 v2, v10;
	v15 =	vcvt.f32.s32 v15  }
0x15c: {  	v6 =	vtrunc.f32 v6;
	v13 =	vcvt.f32.s32 v13;
	v14 =	vadd.s32 v2, v14  }
0x15d: {  	v11 =	vtrunc.f32 v11;
	v8 =	vcvt.f32.s32 v8;
	v15 =	vadd.s32 v2, v15  }
0x15e: {  	v17 =	vtrunc.f32 v17;
	v16 =	vcvt.f32.s32 v16;
	v13 =	vadd.s32 v2, v13  }
0x15f: {  	v50 =	vld [tilespmem:s0+$0x9C00];
	v7 =	vtrunc.f32 v7;
	v6 =	vcvt.f32.s32 v6;
	v8 =	vadd.s32 v2, v8  }
0x160: {  	v12 =	vtrunc.f32 v12;
	v11 =	vcvt.f32.s32 v11;
	v16 =	vadd.s32 v2, v16;
	[tilespmem:v10+s19+$0x0] =	vst.idx.add.s32.msk $0xffff, v3  }
0x161: {  	v51 =	vtrunc.f32 v18;
	v17 =	vcvt.f32.s32 v17;
	v6 =	vadd.s32 v2, v6;
	[tilespmem:v14+s19+$0x0] =	vst.idx.add.s32.msk $0xffff, v3  }
0x162: {  	v52 =	vtrunc.f32 v19;
	v7 =	vcvt.f32.s32 v7;
	v11 =	vadd.s32 v2, v11;
	[tilespmem:v15+s19+$0x0] =	vst.idx.add.s32.msk $0xffff, v3  }
0x163: {  	v9 =	vtrunc.f32 v9;
	v12 =	vcvt.f32.s32 v12;
	v17 =	vadd.s32 v2, v17;
	[tilespmem:v13+s19+$0x0] =	vst.idx.add.s32.msk $0xffff, v3  }
0x164: {  	v53 =	vcvt.f32.s32 v52;
	v7 =	vadd.s32 v2, v7;
	v10 =	vcvt.f32.s32 v51;
	[tilespmem:v8+s19+$0x0] =	vst.idx.add.s32.msk $0xffff, v3  }
0x165: {  	v9 =	vcvt.f32.s32 v9;
	v12 =	vadd.s32 v2, v12;
	v13 =	vadd.f32 $3.072000000e+04, v55;
	[tilespmem:v16+s19+$0x0] =	vst.idx.add.s32.msk $0xffff, v3  }
0x166: {  	v56 =	vadd.s32 v2, v53;
	v10 =	vadd.s32 v2, v10;
	[tilespmem:v6+s19+$0x0] =	vst.idx.add.s32.msk $0xffff, v3;
	v6 =	vtrunc.f32 v57  }
0x167: {  	v9 =	vadd.s32 v2, v9;
	v62 =	vtrunc.f32 v13;
	[tilespmem:v11+s19+$0x0] =	vst.idx.add.s32.msk $0xffff, v3;
	v6 =	vcvt.f32.s32 v6  }
0x168: {  	v14 =	vtrunc.f32 v60;
	v15 =	vadd.f32 $3.686400000e+04, v61;
	v11 =	vcvt.f32.s32 v62;
	[tilespmem:v17+s19+$0x0] =	vst.idx.add.s32.msk $0xffff, v3  }
0x169: {  	v13 =	vtrunc.f32 v63;
	[tilespmem:v7+s19+$0x0] =	vst.idx.add.s32.msk $0xffff, v3;
	v6 =	vadd.s32 v2, v6;
	v7 =	vcvt.f32.s32 v14  }
0x16a: {  	v18 =	vtrunc.f32 v15;
	v17 =	vcvt.f32.s32 v13;
	v11 =	vadd.s32 v2, v11;
	[tilespmem:v12+s19+$0x0] =	vst.idx.add.s32.msk $0xffff, v3  }
0x16b: {  	v22 =	vshll.u32 v50, $0xA;
	v19 =	vcvt.f32.s32 v18;
	[tilespmem:v10+s19+$0x0] =	vst.idx.add.s32.msk $0xffff, v3;
	v7 =	vadd.s32 v2, v7  }
0x16c: {  	v24 =	vadd.s32 s2, v22;
	v23 =	vadd.s32 v2, v17;
	[tilespmem:v56+s19+$0x0] =	vst.idx.add.s32.msk $0xffff, v3  }
0x16d: {  	v26 =	vadd.s32 v5, v24;
	v25 =	vadd.s32 v2, v19;
	[tilespmem:v9+s19+$0x0] =	vst.idx.add.s32.msk $0xffff, v3  }
0x16e: {  	[tilespmem:v6+s19+$0x0] =	vst.idx.add.s32.msk $0xffff, v3;
	v6 =	vadd.s32 v1, v26  }
0x16f: {  	[tilespmem:v11+s19+$0x0] =	vst.idx.add.s32.msk $0xffff, v3  }
0x170: {  	[tilespmem:v7+s19+$0x0] =	vst.idx.add.s32.msk $0xffff, v3  }
0x171: {  	[tilespmem:v23+s19+$0x0] =	vst.idx.add.s32.msk $0xffff, v3  }
0x172: {  	[tilespmem:v25+s19+$0x0] =	vst.idx.add.s32.msk $0xffff, v3  }
0x173: {  	v6 =	vld.idx.msk [tilespmem:v6+s16+$0x0], $0xffff;
	_ =	sdelay $0x4  }
0x174: {  	v6 =	vmul.f32 $1.442695020e+00, v6;
	_ =	sdelay $0x1  }
0x175: {  	(erf) = vpow2.f32 v6;
	_ =	sdelay $0x8  }
0x176: {  	v6 =	vpop (erf)  }
0x177: {  	v6 =	vmul.f32 v6, v20;
	_ =	sdelay $0x1  }
0x178: {  	v7 =	vsub.f32 $1.275000000e+02, v6;
	_ =	sdelay $0x1  }
0x179: {  	v7 =	vmax.f32 v7, $0.0e+00  }
0x17a: {  	v7 =	vadd.f32 $3.891200000e+04, v7;
	_ =	sdelay $0x1  }
0x17b: {  	v7 =	vtrunc.f32 v7  }
0x17c: {  	v27 =	vshll.u32 v50, $0xB;
	v6 =	vtrunc.f32 v6;
	v7 =	vcvt.f32.s32 v7  }
0x17d: {  	v8 =	vor.u32 v2, v27;
	v6 =	vcvt.f32.s32 v6  }
0x17e: {  	v7 =	vadd.s32 v7, v8  }
0x17f: {  	v6 =	vadd.s32 v6, v8;
	_ =	sdelay $0x3  }
0x180: {  	[tilespmem:v7+s19+$0x0] =	vst.idx.add.s32.msk $0xffff, v3  }
0x181: {  	[tilespmem:v6+s19+$0x0] =	vst.idx.add.s32.msk $0xffff, v4  }
0x182: {  	v6 =	vld [tilespmem:s0+$0x4C10]  }
0x183: {  	v7 =	vld [tilespmem:s0+$0x5010]  }
0x184: {  	v28 =	vld [tilespmem:s0+$0x5410]  }
0x185: {  	v9 =	vld [tilespmem:s0+$0x5810]  }
0x186: {  	v29 =	vld [tilespmem:s0+$0x5C10]  }
0x187: {  	v11 =	vld [tilespmem:s0+$0x6010];
	v6 =	vmul.f32 $1.442695020e+00, v6  }
0x188: {  	v30 =	vld [tilespmem:s0+$0x6410];
	v7 =	vmul.f32 $1.442695020e+00, v7  }
0x189: {  	v31 =	vld [tilespmem:s0+$0x6810];
	(erf) = vpow2.f32 v6;
	v6 =	vmul.f32 $1.442695020e+00, v28  }
0x18a: {  	v32 =	vld [tilespmem:s0+$0x6C10];
	(erf) = vpow2.f32 v7;
	v7 =	vmul.f32 $1.442695020e+00, v9  }
0x18b: {  	v33 =	vld [tilespmem:s0+$0x7010];
	(erf) = vpow2.f32 v6;
	v6 =	vmul.f32 $1.442695020e+00, v29  }
0x18c: {  	v34 =	vld [tilespmem:s0+$0x7410];
	(erf) = vpow2.f32 v7;
	v7 =	vmul.f32 $1.442695020e+00, v11  }
0x18d: {  	v35 =	vld [tilespmem:s0+$0x7810];
	(erf) = vpow2.f32 v6;
	v6 =	vmul.f32 $1.442695020e+00, v30  }
0x18e: {  	v36 =	vld [tilespmem:s0+$0x7C10];
	(erf) = vpow2.f32 v7;
	v7 =	vmul.f32 $1.442695020e+00, v31  }
0x18f: {  	v37 =	vld [tilespmem:s0+$0x8010];
	(erf) = vpow2.f32 v6;
	v6 =	vmul.f32 $1.442695020e+00, v32  }
0x190: {  	v38 =	vld [tilespmem:s0+$0x8410];
	(erf) = vpow2.f32 v7;
	v7 =	vmul.f32 $1.442695020e+00, v33  }
0x191: {  	(erf) = vpow2.f32 v6;
	v6 =	vmul.f32 $1.442695020e+00, v34  }
0x192: {  	v39 =	vld [tilespmem:s0+$0x8810];
	v10 =	vpop (erf);
	(erf) = vpow2.f32 v7;
	v7 =	vmul.f32 $1.442695020e+00, v35  }
0x193: {  	v14 =	vpop (erf);
	(erf) = vpow2.f32 v6;
	v6 =	vmul.f32 $1.442695020e+00, v36  }
0x194: {  	v40 =	vld [tilespmem:s0+$0x8C10];
	v42 =	vpop (erf);
	(erf) = vpow2.f32 v7;
	v7 =	vmul.f32 $1.442695020e+00, v37  }
0x195: {  	v43 =	vpop (erf);
	(erf) = vpow2.f32 v6;
	v6 =	vmul.f32 $1.442695020e+00, v38;
	_ =	sdelay $0x1  }
0x196: {  	v41 =	vld [tilespmem:s0+$0x9010];
	v44 =	vpop (erf);
	(erf) = vpow2.f32 v7;
	v7 =	vmul.f32 $1.442695020e+00, v39  }
0x197: {  	v46 =	vpop (erf);
	(erf) = vpow2.f32 v6  }
0x198: {  	v45 =	vld [tilespmem:s0+$0x9410];
	v6 =	vpop (erf);
	(erf) = vpow2.f32 v7;
	v7 =	vmul.f32 $1.442695020e+00, v40;
	_ =	sdelay $0x1  }
0x199: {  	v47 =	vpop (erf)  }
0x19a: {  	v12 =	vmul.f32 $1.442695020e+00, v41;
	v48 =	vpop (erf)  }
0x19b: {  	(erf) = vpow2.f32 v7;
	v7 =	vpop (erf)  }
0x19c: {  	v9 =	vmul.f32 $1.442695020e+00, v45;
	(erf) = vpow2.f32 v12;
	v49 =	vpop (erf)  }
0x19d: {  	v50 =	vpop (erf)  }
0x19e: {  	(erf) = vpow2.f32 v9;
	v51 =	vpop (erf)  }
0x19f: {  	v53 =	vadd.f32 v14, v10;
	v54 =	vadd.f32 v43, v42;
	v52 =	vpop (erf)  }
0x1a0: {  	v56 =	vadd.f32 v46, v44;
	v57 =	vadd.f32 v47, v6;
	v55 =	vpop (erf)  }
0x1a1: {  	v59 =	vadd.f32 v7, v48;
	v60 =	vadd.f32 v50, v49;
	v58 =	vpop (erf)  }
0x1a2: {  	v61 =	vadd.f32 v52, v51;
	v62 =	vadd.f32 v58, v55  }
0x1a3: {  	v20 =	vadd.f32 v54, v53;
	v33 =	vadd.f32 v57, v56  }
0x1a4: {  	v35 =	vadd.f32 v60, v59;
	v63 =	vpop (erf);
	v36 =	vadd.f32 v62, v61  }
0x1a5: {  	v20 =	vadd.f32 v33, v20;
	v34 =	vpop (erf)  }
0x1a6: {  	v37 =	vadd.f32 v34, v63;
	v38 =	vadd.f32 v36, v35  }
0x1a7: {  	v39 =	vpop (erf)  }
0x1a8: {  	v40 =	vadd.f32 v39, v37;
	v20 =	vadd.f32 v38, v20;
	_ =	sdelay $0x1  }
0x1a9: {  	v20 =	vadd.f32 v40, v20;
	_ =	sdelay $0x1  }
0x1aa: {  	(erf) = vrcp.f32 v20;
	_ =	sdelay $0x8  }
0x1ab: {  	v20 =	vpop (erf)  }
0x1ac: {  	v20 =	vmul.f32 $1.275000000e+02, v20;
	_ =	sdelay $0x1  }
0x1ad: {  	v14 =	vmul.f32 v20, v14;
	v10 =	vmul.f32 v20, v10  }
0x1ae: {  	v15 =	vmul.f32 v20, v42;
	v13 =	vmul.f32 v20, v43  }
0x1af: {  	v8 =	vmul.f32 v20, v44;
	v16 =	vmul.f32 v20, v46  }
0x1b0: {  	v6 =	vmul.f32 v20, v6;
	v11 =	vmul.f32 v20, v47  }
0x1b1: {  	v17 =	vmul.f32 v20, v48;
	v7 =	vmul.f32 v20, v7  }
0x1b2: {  	v12 =	vmul.f32 v20, v49;
	v18 =	vmul.f32 v20, v50  }
0x1b3: {  	v19 =	vmul.f32 v20, v51;
	v9 =	vmul.f32 v20, v52;
	v14 =	vadd.f32 $2.048000000e+03, v14  }
0x1b4: {  	v45 =	vmul.f32 v20, v55;
	v15 =	vadd.f32 $4.096000000e+03, v15;
	v13 =	vadd.f32 $6.144000000e+03, v13  }
0x1b5: {  	v46 =	vmul.f32 v20, v58;
	v8 =	vadd.f32 $8.192000000e+03, v8;
	v16 =	vadd.f32 $1.024000000e+04, v16  }
0x1b6: {  	v49 =	vmul.f32 v20, v63;
	v6 =	vadd.f32 $1.228800000e+04, v6;
	v11 =	vadd.f32 $1.433600000e+04, v11  }
0x1b7: {  	v50 =	vmul.f32 v20, v34;
	v17 =	vadd.f32 $1.638400000e+04, v17;
	v7 =	vadd.f32 $1.843200000e+04, v7  }
0x1b8: {  	v52 =	vmul.f32 v20, v39;
	v12 =	vadd.f32 $2.048000000e+04, v12;
	v18 =	vadd.f32 $2.252800000e+04, v18  }
0x1b9: {  	v10 =	vtrunc.f32 v10;
	v19 =	vadd.f32 $2.457600000e+04, v19;
	v9 =	vadd.f32 $2.662400000e+04, v9  }
0x1ba: {  	v48 =	vadd.f32 $2.867200000e+04, v45;
	v10 =	vcvt.f32.s32 v10;
	v14 =	vtrunc.f32 v14  }
0x1bb: {  	v51 =	vadd.f32 $3.276800000e+04, v49;
	v15 =	vtrunc.f32 v15;
	v13 =	vtrunc.f32 v13  }
0x1bc: {  	v54 =	vadd.f32 $3.481600000e+04, v50;
	v8 =	vtrunc.f32 v8;
	v14 =	vcvt.f32.s32 v14  }
0x1bd: {  	v16 =	vtrunc.f32 v16;
	v10 =	vadd.s32 v2, v10;
	v15 =	vcvt.f32.s32 v15  }
0x1be: {  	v6 =	vtrunc.f32 v6;
	v13 =	vcvt.f32.s32 v13;
	v14 =	vadd.s32 v2, v14  }
0x1bf: {  	v11 =	vtrunc.f32 v11;
	v8 =	vcvt.f32.s32 v8;
	v15 =	vadd.s32 v2, v15  }
0x1c0: {  	v17 =	vtrunc.f32 v17;
	v16 =	vcvt.f32.s32 v16;
	v13 =	vadd.s32 v2, v13  }
0x1c1: {  	v41 =	vld [tilespmem:s0+$0x9C10];
	v7 =	vtrunc.f32 v7;
	v6 =	vcvt.f32.s32 v6;
	v8 =	vadd.s32 v2, v8  }
0x1c2: {  	v12 =	vtrunc.f32 v12;
	v11 =	vcvt.f32.s32 v11;
	v16 =	vadd.s32 v2, v16;
	[tilespmem:v10+s19+$0x0] =	vst.idx.add.s32.msk $0xffff, v3  }
0x1c3: {  	v42 =	vtrunc.f32 v18;
	v17 =	vcvt.f32.s32 v17;
	v6 =	vadd.s32 v2, v6;
	[tilespmem:v14+s19+$0x0] =	vst.idx.add.s32.msk $0xffff, v3  }
0x1c4: {  	v43 =	vtrunc.f32 v19;
	v7 =	vcvt.f32.s32 v7;
	v11 =	vadd.s32 v2, v11;
	[tilespmem:v15+s19+$0x0] =	vst.idx.add.s32.msk $0xffff, v3  }
0x1c5: {  	v9 =	vtrunc.f32 v9;
	v12 =	vcvt.f32.s32 v12;
	v17 =	vadd.s32 v2, v17;
	[tilespmem:v13+s19+$0x0] =	vst.idx.add.s32.msk $0xffff, v3  }
0x1c6: {  	v44 =	vcvt.f32.s32 v43;
	v7 =	vadd.s32 v2, v7;
	v10 =	vcvt.f32.s32 v42;
	[tilespmem:v8+s19+$0x0] =	vst.idx.add.s32.msk $0xffff, v3  }
0x1c7: {  	v9 =	vcvt.f32.s32 v9;
	v12 =	vadd.s32 v2, v12;
	v13 =	vadd.f32 $3.072000000e+04, v46;
	[tilespmem:v16+s19+$0x0] =	vst.idx.add.s32.msk $0xffff, v3  }
0x1c8: {  	v47 =	vadd.s32 v2, v44;
	v10 =	vadd.s32 v2, v10;
	[tilespmem:v6+s19+$0x0] =	vst.idx.add.s32.msk $0xffff, v3;
	v6 =	vtrunc.f32 v48  }
0x1c9: {  	v9 =	vadd.s32 v2, v9;
	v53 =	vtrunc.f32 v13;
	[tilespmem:v11+s19+$0x0] =	vst.idx.add.s32.msk $0xffff, v3;
	v6 =	vcvt.f32.s32 v6  }
0x1ca: {  	v14 =	vtrunc.f32 v51;
	v15 =	vadd.f32 $3.686400000e+04, v52;
	v11 =	vcvt.f32.s32 v53;
	[tilespmem:v17+s19+$0x0] =	vst.idx.add.s32.msk $0xffff, v3  }
0x1cb: {  	v13 =	vtrunc.f32 v54;
	[tilespmem:v7+s19+$0x0] =	vst.idx.add.s32.msk $0xffff, v3;
	v6 =	vadd.s32 v2, v6;
	v7 =	vcvt.f32.s32 v14  }
0x1cc: {  	v56 =	vtrunc.f32 v15;
	v55 =	vcvt.f32.s32 v13;
	v11 =	vadd.s32 v2, v11;
	[tilespmem:v12+s19+$0x0] =	vst.idx.add.s32.msk $0xffff, v3  }
0x1cd: {  	s31 =	sadd.s32 $0x10, s2;
	v58 =	vshll.u32 v41, $0xA;
	v57 =	vcvt.f32.s32 v56;
	[tilespmem:v10+s19+$0x0] =	vst.idx.add.s32.msk $0xffff, v3;
	v7 =	vadd.s32 v2, v7  }
0x1ce: {  	v60 =	vadd.s32 s31, v58;
	v59 =	vadd.s32 v2, v55;
	[tilespmem:v47+s19+$0x0] =	vst.idx.add.s32.msk $0xffff, v3  }
0x1cf: {  	v62 =	vadd.s32 v1, v60;
	v61 =	vadd.s32 v2, v57;
	[tilespmem:v9+s19+$0x0] =	vst.idx.add.s32.msk $0xffff, v3  }
0x1d0: {  	[tilespmem:v6+s19+$0x0] =	vst.idx.add.s32.msk $0xffff, v3;
	v6 =	vor.u32 v5, v62  }
0x1d1: {  	[tilespmem:v11+s19+$0x0] =	vst.idx.add.s32.msk $0xffff, v3  }
0x1d2: {  	[tilespmem:v7+s19+$0x0] =	vst.idx.add.s32.msk $0xffff, v3  }
0x1d3: {  	[tilespmem:v59+s19+$0x0] =	vst.idx.add.s32.msk $0xffff, v3  }
0x1d4: {  	[tilespmem:v61+s19+$0x0] =	vst.idx.add.s32.msk $0xffff, v3  }
0x1d5: {  	v6 =	vld.idx.msk [tilespmem:v6+s16+$0x0], $0xffff;
	_ =	sdelay $0x4  }
0x1d6: {  	v6 =	vmul.f32 $1.442695020e+00, v6;
	_ =	sdelay $0x1  }
0x1d7: {  	(erf) = vpow2.f32 v6;
	_ =	sdelay $0x8  }
0x1d8: {  	v6 =	vpop (erf)  }
0x1d9: {  	v6 =	vmul.f32 v6, v20;
	_ =	sdelay $0x1  }
0x1da: {  	v7 =	vsub.f32 $1.275000000e+02, v6;
	_ =	sdelay $0x1  }
0x1db: {  	v7 =	vmax.f32 v7, $0.0e+00  }
0x1dc: {  	v7 =	vadd.f32 $3.891200000e+04, v7;
	_ =	sdelay $0x1  }
0x1dd: {  	v7 =	vtrunc.f32 v7  }
0x1de: {  	v63 =	vshll.u32 v41, $0xB;
	v6 =	vtrunc.f32 v6;
	v7 =	vcvt.f32.s32 v7  }
0x1df: {  	v8 =	vor.u32 v2, v63;
	v6 =	vcvt.f32.s32 v6  }
0x1e0: {  	s29 =	sadd.s32 $0x2, s29;
	v7 =	vadd.s32 v7, v8  }
0x1e1: {  	p0 =	slt.u32 s29, $0x6;
	v6 =	vadd.s32 v6, v8  }
.Ltmp3:
0x1e2: {  	_ = 	snop;
	(pc) =	sbr.rel @p0 .LBB2_10-.Ltmp3, $3  }
0x1e3: {  	_ =	sdelay $0x1  }
0x1e4: {  	[tilespmem:v7+s19+$0x0] =	vst.idx.add.s32.msk $0xffff, v3  }
0x1e5: {  	s30 =	sadd.s32 $0x80, s30;
	s2 =	sadd.s32 $0x20, s2;
	[tilespmem:v6+s19+$0x0] =	vst.idx.add.s32.msk $0xffff, v4  }
0x1e6: {  	s28 =	sadd.s32 $0x1, s28  }
0x1e7: {  	p0 =	sne.s32 s28, $0x8  }
.Ltmp4:
0x1e8: {  	_ = 	snop;
	(pc) =	sbr.rel @p0 .LBB2_9-.Ltmp4, $2  }
0x1e9: {  	_ =	sdelay $0x2  }
0x1ea: {  	s26 =	sadd.s32 $0x200, s26  }
0x1eb: {  	s25 =	sadd.s32 $0x1, s25  }
0x1ec: {  	p0 =	sne.s32 s25, $0x9  }
.Ltmp5:
0x1ed: {  	_ = 	snop;
	(pc) =	sbr.rel @p0 .LBB2_4-.Ltmp5, $1  }
0x1ee: {  	_ =	sdelay $0x3  }
0x1ef: {  	s23 =	sadd.s32 $0x1, s23  }
0x1f0: {  	p0 =	sne.s32 s23, s12  }
.Ltmp6:
0x1f1: {  	_ = 	snop;
	(pc) =	sbr.rel @p0 .LBB2_1-.Ltmp6, $4  }
0x1f2: {  	[hbm4b:s11+s4] =	stream.linear.scatter [tilespmem:s19], [sflag:$0x5], $0x13000, $0x38;
	[tilespmem:$0x1D000] =	vst v63  }
0x1f3: {  	_ =	swait.ge [sflag:s22], $0x13000  }
0x1f4: {  	[sflag:s22] =	ssyncset.done $0x0  }
0x1f5: {  	[sflag:s22] =	ssyncadd.s32 $0xFFFED000  }
0x1f6: {  	_ =	sfence.sel $0x180000  }
0x1f7: {  	[bflag:$0x0] =	sbarrier.arrive $0xFFFF  }
0x1f8: {  	_ =	strace $0x90000047  }
0x1f9: {  	s0 =	stileid.u32;
	[bflag:$0x2] =	sbarrier.arrive $0xFFFF  }
0x1fa: {  	p0 =	sne.s32 s0, $0x0;
	s0 =	rddreg [dreg:$0x3]  }
0x1fb: {  	s0 =	sadd.s32 @!p0 $0x100000, s0  }
0x1fc: {  	[sflag:s0] =	ssyncadd.tile.s32 @!p0 $0x1;
	_ =	shalt  }
.Lfunc_end2:
_tile_overlayer_lowered:
.L_overlay_start_2:
0x1fd: {  	(tag) =	ssettag $0x2  }
0x1fe: {  	s0 =	rddreg [dreg:$0x0];
	s2 =	stileid.u32  }
0x1ff: {  	s1 =	rddreg [dreg:$0x1];
	p0 =	sne.s32 s2, $0x0  }
0x200: {  	s3 =	rddreg [dreg:$0x2];
	[bflag:$0x3] =	sbarrier.arrive $0xFFFF;
	s2 =	simm.s32 @!p0 $0x1C05  }
0x201: {  	[timem:s3], [sflag:s2] =	dma.local @!p0 [hbm:s0], s1  }
0x202: {  	s0 =	simm.s32 @!p0 $0x5  }
0x203: {  	_ =	swait.ge @!p0 [sflag:s0], s1  }
0x204: {  	s1 =	ssub.s32 @!p0 $0x0, s1;
	[sflag:s0] =	ssyncset.done @!p0 $0x0  }
0x205: {  	[sflag:s0] =	ssyncadd.s32 @!p0 s1  }
0x206: {  	[bflag:$0x3] =	sbarrier.arrive $0xFFFF  }
0x207: {  	_ =	shalt  }

</sc_bundles>
